<compile_context>
chip_gen: v7x
topology: tpu7x:2x2x1
jax: 0.10.2.dev20260603
libtpu: 0.0.44.dev20260713+nightly
codegen_flags: <defaults>
</compile_context>

<pallas_src>
import jax
import jax.numpy as jnp
from jax import lax
from jax.experimental import pallas as pl
from jax.experimental.pallas import tpu as pltpu
from jax.experimental.pallas import tpu_sc as plsc

ROWS = 2097152
COLS = 4
LANE = 128
IN_R = ROWS * COLS // LANE
OUT_R = 2 * IN_R
CHUNK_R = 8192
NC = 2
NS = 16
NW = NC * NS
S = IN_R // NW
BR = 256
NCH = S // BR
NBUF = 3
ZBR = 128
ZCH = S // ZBR


def _body(in_hbm, zeros_hbm, out_hbm,
          b0, b1, b2, zbuf,
          si0, si1, si2, so0, so1, so2, sz, szi):
    bufs = (b0, b1, b2)
    sin = (si0, si1, si2)
    sout = (so0, so1, so2)
    c = lax.axis_index("c")
    s = lax.axis_index("s")
    wid = s * NC + c
    in_off = wid * S
    k = wid // 4
    q = wid % 4
    out_off = k * (2 * CHUNK_R) + q * S
    zero_off = out_off + CHUNK_R

    pltpu.async_copy(zeros_hbm.at[:], zbuf, szi).wait()
    zh = [pltpu.async_copy(
        zbuf, out_hbm.at[pl.ds(zero_off + j * ZBR, ZBR)], sz)
        for j in range(ZCH)]

    in_h = [None] * NCH
    out_h = [None] * NCH
    for j in range(NCH):
        b = j % NBUF
        if j >= NBUF:
            out_h[j - NBUF].wait()
        in_h[j] = pltpu.async_copy(
            in_hbm.at[pl.ds(in_off + j * BR, BR)], bufs[b], sin[b])
        in_h[j].wait()
        out_h[j] = pltpu.async_copy(
            bufs[b], out_hbm.at[pl.ds(out_off + j * BR, BR)], sout[b])
    for j in range(max(0, NCH - NBUF), NCH):
        out_h[j].wait()
    for h in zh:
        h.wait()


def kernel(psi):
    flat = psi.reshape(ROWS // LANE, LANE, COLS).transpose(0, 2, 1)
    flat = flat.reshape(IN_R, LANE)
    zeros = jnp.zeros((ZBR, LANE), jnp.float32)
    mesh = plsc.VectorSubcoreMesh(core_axis_name="c", subcore_axis_name="s")
    run = pl.kernel(
        _body,
        out_type=jax.ShapeDtypeStruct((OUT_R, LANE), jnp.float32),
        mesh=mesh,
        scratch_types=(
            [pltpu.VMEM((BR, LANE), jnp.float32)] * NBUF
            + [pltpu.VMEM((ZBR, LANE), jnp.float32)]
            + [pltpu.SemaphoreType.DMA] * 8
        ),
    )
    out = run(flat, zeros)
    out = out.reshape(2 * ROWS // LANE, COLS, LANE).transpose(0, 2, 1)
    return out.reshape(2 * ROWS, COLS)

# --- scband reference (transcript-rebuilt; emitter-appended) ---
"""Pipeline reference for scband-add-0-ancilla-60550448939713 (READ-ONLY COPY).

The authoritative reference and input builder live on the scoring server;
editing this copy changes nothing except your own understanding.
"""

import jax, jax.numpy as jnp
import numpy as np

P = 3  # ancilla qubit position (init kwarg)

def _split_by_bits_first(N, p):
    # indices of [0, N) where the bit for qubit p (MSB-first convention) is 0
    n = int(np.log2(N))
    idx = np.arange(N, dtype=np.int64)
    mask = ((idx >> (n - 1 - p)) & 1) == 0
    return jnp.asarray(idx[mask])

def setup_inputs(seed: int = 0) -> dict:
    key = jax.random.key(seed)
    psi = jax.random.normal(key, (2097152, 4), dtype=jnp.float32)
    return {"psi": psi}

def reference(psi):
    N = 2 * psi.shape[0]
    _0 = _split_by_bits_first(N, P)
    psi_out = jnp.zeros((N,) + psi.shape[1:], dtype=psi.dtype)
    psi_out = psi_out.at[_0].add(psi)
    return psi_out

if __name__ == "__main__":
    import jax
    _d = setup_inputs()
    print(jax.jit(kernel)(*tuple(_d.values())))

</pallas_src>

<mosaic_0001>
#map = affine_map<(d0, d1) -> (0, 0)>
module attributes {stable_mosaic.version = 14 : i64} {
  func.func @_body(%arg0: i32, %arg1: i32, %arg2: memref<65536x128xf32, #tpu.memory_space<hbm>>, %arg3: memref<128x128xf32, #tpu.memory_space<hbm>>, %arg4: memref<131072x128xf32, #tpu.memory_space<hbm>>, %arg5: memref<256x128xf32, #tpu.memory_space<vmem>>, %arg6: memref<256x128xf32, #tpu.memory_space<vmem>>, %arg7: memref<256x128xf32, #tpu.memory_space<vmem>>, %arg8: memref<128x128xf32, #tpu.memory_space<vmem>>, %arg9: memref<!tpu.dma_semaphore, #tpu.memory_space<semaphore_mem>>, %arg10: memref<!tpu.dma_semaphore, #tpu.memory_space<semaphore_mem>>, %arg11: memref<!tpu.dma_semaphore, #tpu.memory_space<semaphore_mem>>, %arg12: memref<!tpu.dma_semaphore, #tpu.memory_space<semaphore_mem>>, %arg13: memref<!tpu.dma_semaphore, #tpu.memory_space<semaphore_mem>>, %arg14: memref<!tpu.dma_semaphore, #tpu.memory_space<semaphore_mem>>, %arg15: memref<!tpu.dma_semaphore, #tpu.memory_space<semaphore_mem>>, %arg16: memref<!tpu.dma_semaphore, #tpu.memory_space<semaphore_mem>>) attributes {dimension_semantics = [#tpu.dimension_semantics<core_parallel>, #tpu.dimension_semantics<subcore_parallel>], iteration_bounds = array<i64: 2, 16>, scalar_prefetch = 0 : i64, scratch_operands = 12 : i64, tpu.core_type = #tpu.core_type<sc_vector_subcore>, window_params = [{transform_indices = #map}, {transform_indices = #map}, {transform_indices = #map}]} {
    %mul3A = arith.constant 2 : i32
    %mul3A_0 = arith.muli %arg1, %mul3A : i32
    %add3A = arith.addi %mul3A_0, %arg0 : i32
    %mul3A_1 = arith.constant 2048 : i32
    %mul3A_2 = arith.muli %add3A, %mul3A_1 : i32
    %jit3A = arith.constant 4 : i32
    %div3A = arith.divsi %add3A, %jit3A : i32
    %sign3A = arith.constant 0 : i32
    %sign3A_3 = arith.cmpi sgt, %add3A, %sign3A : i32
    %sign3A_4 = arith.extui %sign3A_3 : i1 to i32
    %sign3A_5 = arith.constant 0 : i32
    %sign3A_6 = arith.cmpi slt, %add3A, %sign3A_5 : i32
    %sign3A_7 = arith.extui %sign3A_6 : i1 to i32
    %sign3A_8 = arith.subi %sign3A_4, %sign3A_7 : i32
    %sign3A_9 = arith.constant 0 : i32
    %sign3A_10 = arith.cmpi sgt, %jit3A, %sign3A_9 : i32
    %sign3A_11 = arith.extui %sign3A_10 : i1 to i32
    %sign3A_12 = arith.constant 0 : i32
    %sign3A_13 = arith.cmpi slt, %jit3A, %sign3A_12 : i32
    %sign3A_14 = arith.extui %sign3A_13 : i1 to i32
    %sign3A_15 = arith.subi %sign3A_11, %sign3A_14 : i32
    %ne3A = arith.cmpi ne, %sign3A_8, %sign3A_15 : i32
    %rem3A = arith.remsi %add3A, %jit3A : i32
    %ne3A_16 = arith.constant 0 : i32
    %ne3A_17 = arith.cmpi ne, %rem3A, %ne3A_16 : i32
    %and3A = arith.andi %ne3A, %ne3A_17 : i1
    %sub3A = arith.constant 1 : i32
    %sub3A_18 = arith.subi %div3A, %sub3A : i32
    %select_n3A = arith.select %and3A, %sub3A_18, %div3A : i32
    %jit3A_19 = arith.constant 4 : i32
    %eq3A = arith.constant 0 : i32
    %eq3A_20 = arith.cmpi eq, %jit3A_19, %eq3A : i32
    %jit3A_21 = arith.constant 1 : i32
    %select_n3A_22 = arith.select %eq3A_20, %jit3A_21, %jit3A_19 : i32
    %rem3A_23 = arith.remsi %add3A, %select_n3A_22 : i32
    %ne3A_24 = arith.constant 0 : i32
    %ne3A_25 = arith.cmpi ne, %rem3A_23, %ne3A_24 : i32
    %lt3A = arith.constant 0 : i32
    %lt3A_26 = arith.cmpi slt, %rem3A_23, %lt3A : i32
    %lt3A_27 = arith.constant 0 : i32
    %lt3A_28 = arith.cmpi slt, %select_n3A_22, %lt3A_27 : i32
    %ne3A_29 = arith.xori %lt3A_26, %lt3A_28 : i1
    %and3A_30 = arith.andi %ne3A_29, %ne3A_25 : i1
    %add3A_31 = arith.addi %rem3A_23, %select_n3A_22 : i32
    %select_n3A_32 = arith.select %and3A_30, %add3A_31, %rem3A_23 : i32
    %mul3A_33 = arith.constant 16384 : i32
    %mul3A_34 = arith.muli %select_n3A, %mul3A_33 : i32
    %mul3A_35 = arith.constant 2048 : i32
    %mul3A_36 = arith.muli %select_n3A_32, %mul3A_35 : i32
    %add3A_37 = arith.addi %mul3A_34, %mul3A_36 : i32
    %add3A_38 = arith.constant 8192 : i32
    %add3A_39 = arith.addi %add3A_37, %add3A_38 : i32
    %dma_start3A = arith.constant 0 : i32
    %dma_start3A_40 = arith.constant 0 : i32
    %dma_start3A_41 = tpu.memref_slice %arg3[%dma_start3A, %dma_start3A_40] : memref<128x128xf32, #tpu.memory_space<hbm>> -> memref<128x128xf32, #tpu.memory_space<hbm>>
    %dma_start3A_42 = arith.constant 0 : i32
    %dma_start3A_43 = arith.constant 0 : i32
    %dma_start3A_44 = tpu.memref_slice %arg3[%dma_start3A_42, %dma_start3A_43] : memref<128x128xf32, #tpu.memory_space<hbm>> -> memref<128x128xf32, #tpu.memory_space<hbm>>
    tpu.enqueue_dma source(%dma_start3A_44 : memref<128x128xf32, #tpu.memory_space<hbm>>) target(%arg8 : memref<128x128xf32, #tpu.memory_space<vmem>>) target_semaphore(%arg16 : memref<!tpu.dma_semaphore, #tpu.memory_space<semaphore_mem>>)
    %dma_wait3A = arith.constant 0 : i32
    %dma_wait3A_45 = arith.constant 0 : i32
    %dma_wait3A_46 = tpu.memref_slice %arg3[%dma_wait3A, %dma_wait3A_45] : memref<128x128xf32, #tpu.memory_space<hbm>> -> memref<128x128xf32, #tpu.memory_space<hbm>>
    %dma_wait3A_47 = arith.constant 0 : i32
    %dma_wait3A_48 = arith.constant 0 : i32
    %dma_wait3A_49 = tpu.memref_slice %arg3[%dma_wait3A_47, %dma_wait3A_48] : memref<128x128xf32, #tpu.memory_space<hbm>> -> memref<128x128xf32, #tpu.memory_space<hbm>>
    tpu.wait_dma2 semaphore(%arg16 : memref<!tpu.dma_semaphore, #tpu.memory_space<semaphore_mem>>) src(%dma_wait3A_49 : memref<128x128xf32, #tpu.memory_space<hbm>>) dst(%arg8 : memref<128x128xf32, #tpu.memory_space<vmem>>)
    %add3A_50 = arith.constant 0 : i32
    %add3A_51 = arith.addi %add3A_39, %add3A_50 : i32
    %dma_start3A_52 = arith.constant 0 : i32
    %dma_start3A_53 = tpu.memref_slice %arg4[%add3A_51, %dma_start3A_52] : memref<131072x128xf32, #tpu.memory_space<hbm>> -> memref<128x128xf32, #tpu.memory_space<hbm>>
    %dma_start3A_54 = arith.constant 0 : i32
    %dma_start3A_55 = tpu.memref_slice %arg4[%add3A_51, %dma_start3A_54] : memref<131072x128xf32, #tpu.memory_space<hbm>> -> memref<128x128xf32, #tpu.memory_space<hbm>>
    tpu.enqueue_dma source(%arg8 : memref<128x128xf32, #tpu.memory_space<vmem>>) target(%dma_start3A_55 : memref<128x128xf32, #tpu.memory_space<hbm>>) target_semaphore(%arg15 : memref<!tpu.dma_semaphore, #tpu.memory_space<semaphore_mem>>)
    %add3A_56 = arith.constant 128 : i32
    %add3A_57 = arith.addi %add3A_39, %add3A_56 : i32
    %dma_start3A_58 = arith.constant 0 : i32
    %dma_start3A_59 = tpu.memref_slice %arg4[%add3A_57, %dma_start3A_58] : memref<131072x128xf32, #tpu.memory_space<hbm>> -> memref<128x128xf32, #tpu.memory_space<hbm>>
    %dma_start3A_60 = arith.constant 0 : i32
    %dma_start3A_61 = tpu.memref_slice %arg4[%add3A_57, %dma_start3A_60] : memref<131072x128xf32, #tpu.memory_space<hbm>> -> memref<128x128xf32, #tpu.memory_space<hbm>>
    tpu.enqueue_dma source(%arg8 : memref<128x128xf32, #tpu.memory_space<vmem>>) target(%dma_start3A_61 : memref<128x128xf32, #tpu.memory_space<hbm>>) target_semaphore(%arg15 : memref<!tpu.dma_semaphore, #tpu.memory_space<semaphore_mem>>)
    %add3A_62 = arith.constant 256 : i32
    %add3A_63 = arith.addi %add3A_39, %add3A_62 : i32
    %dma_start3A_64 = arith.constant 0 : i32
    %dma_start3A_65 = tpu.memref_slice %arg4[%add3A_63, %dma_start3A_64] : memref<131072x128xf32, #tpu.memory_space<hbm>> -> memref<128x128xf32, #tpu.memory_space<hbm>>
    %dma_start3A_66 = arith.constant 0 : i32
    %dma_start3A_67 = tpu.memref_slice %arg4[%add3A_63, %dma_start3A_66] : memref<131072x128xf32, #tpu.memory_space<hbm>> -> memref<128x128xf32, #tpu.memory_space<hbm>>
    tpu.enqueue_dma source(%arg8 : memref<128x128xf32, #tpu.memory_space<vmem>>) target(%dma_start3A_67 : memref<128x128xf32, #tpu.memory_space<hbm>>) target_semaphore(%arg15 : memref<!tpu.dma_semaphore, #tpu.memory_space<semaphore_mem>>)
    %add3A_68 = arith.constant 384 : i32
    %add3A_69 = arith.addi %add3A_39, %add3A_68 : i32
    %dma_start3A_70 = arith.constant 0 : i32
    %dma_start3A_71 = tpu.memref_slice %arg4[%add3A_69, %dma_start3A_70] : memref<131072x128xf32, #tpu.memory_space<hbm>> -> memref<128x128xf32, #tpu.memory_space<hbm>>
    %dma_start3A_72 = arith.constant 0 : i32
    %dma_start3A_73 = tpu.memref_slice %arg4[%add3A_69, %dma_start3A_72] : memref<131072x128xf32, #tpu.memory_space<hbm>> -> memref<128x128xf32, #tpu.memory_space<hbm>>
    tpu.enqueue_dma source(%arg8 : memref<128x128xf32, #tpu.memory_space<vmem>>) target(%dma_start3A_73 : memref<128x128xf32, #tpu.memory_space<hbm>>) target_semaphore(%arg15 : memref<!tpu.dma_semaphore, #tpu.memory_space<semaphore_mem>>)
    %add3A_74 = arith.constant 512 : i32
    %add3A_75 = arith.addi %add3A_39, %add3A_74 : i32
    %dma_start3A_76 = arith.constant 0 : i32
    %dma_start3A_77 = tpu.memref_slice %arg4[%add3A_75, %dma_start3A_76] : memref<131072x128xf32, #tpu.memory_space<hbm>> -> memref<128x128xf32, #tpu.memory_space<hbm>>
    %dma_start3A_78 = arith.constant 0 : i32
    %dma_start3A_79 = tpu.memref_slice %arg4[%add3A_75, %dma_start3A_78] : memref<131072x128xf32, #tpu.memory_space<hbm>> -> memref<128x128xf32, #tpu.memory_space<hbm>>
    tpu.enqueue_dma source(%arg8 : memref<128x128xf32, #tpu.memory_space<vmem>>) target(%dma_start3A_79 : memref<128x128xf32, #tpu.memory_space<hbm>>) target_semaphore(%arg15 : memref<!tpu.dma_semaphore, #tpu.memory_space<semaphore_mem>>)
    %add3A_80 = arith.constant 640 : i32
    %add3A_81 = arith.addi %add3A_39, %add3A_80 : i32
    %dma_start3A_82 = arith.constant 0 : i32
    %dma_start3A_83 = tpu.memref_slice %arg4[%add3A_81, %dma_start3A_82] : memref<131072x128xf32, #tpu.memory_space<hbm>> -> memref<128x128xf32, #tpu.memory_space<hbm>>
    %dma_start3A_84 = arith.constant 0 : i32
    %dma_start3A_85 = tpu.memref_slice %arg4[%add3A_81, %dma_start3A_84] : memref<131072x128xf32, #tpu.memory_space<hbm>> -> memref<128x128xf32, #tpu.memory_space<hbm>>
    tpu.enqueue_dma source(%arg8 : memref<128x128xf32, #tpu.memory_space<vmem>>) target(%dma_start3A_85 : memref<128x128xf32, #tpu.memory_space<hbm>>) target_semaphore(%arg15 : memref<!tpu.dma_semaphore, #tpu.memory_space<semaphore_mem>>)
    %add3A_86 = arith.constant 768 : i32
    %add3A_87 = arith.addi %add3A_39, %add3A_86 : i32
    %dma_start3A_88 = arith.constant 0 : i32
    %dma_start3A_89 = tpu.memref_slice %arg4[%add3A_87, %dma_start3A_88] : memref<131072x128xf32, #tpu.memory_space<hbm>> -> memref<128x128xf32, #tpu.memory_space<hbm>>
    %dma_start3A_90 = arith.constant 0 : i32
    %dma_start3A_91 = tpu.memref_slice %arg4[%add3A_87, %dma_start3A_90] : memref<131072x128xf32, #tpu.memory_space<hbm>> -> memref<128x128xf32, #tpu.memory_space<hbm>>
    tpu.enqueue_dma source(%arg8 : memref<128x128xf32, #tpu.memory_space<vmem>>) target(%dma_start3A_91 : memref<128x128xf32, #tpu.memory_space<hbm>>) target_semaphore(%arg15 : memref<!tpu.dma_semaphore, #tpu.memory_space<semaphore_mem>>)
    %add3A_92 = arith.constant 896 : i32
    %add3A_93 = arith.addi %add3A_39, %add3A_92 : i32
    %dma_start3A_94 = arith.constant 0 : i32
    %dma_start3A_95 = tpu.memref_slice %arg4[%add3A_93, %dma_start3A_94] : memref<131072x128xf32, #tpu.memory_space<hbm>> -> memref<128x128xf32, #tpu.memory_space<hbm>>
    %dma_start3A_96 = arith.constant 0 : i32
    %dma_start3A_97 = tpu.memref_slice %arg4[%add3A_93, %dma_start3A_96] : memref<131072x128xf32, #tpu.memory_space<hbm>> -> memref<128x128xf32, #tpu.memory_space<hbm>>
    tpu.enqueue_dma source(%arg8 : memref<128x128xf32, #tpu.memory_space<vmem>>) target(%dma_start3A_97 : memref<128x128xf32, #tpu.memory_space<hbm>>) target_semaphore(%arg15 : memref<!tpu.dma_semaphore, #tpu.memory_space<semaphore_mem>>)
    %add3A_98 = arith.constant 1024 : i32
    %add3A_99 = arith.addi %add3A_39, %add3A_98 : i32
    %dma_start3A_100 = arith.constant 0 : i32
    %dma_start3A_101 = tpu.memref_slice %arg4[%add3A_99, %dma_start3A_100] : memref<131072x128xf32, #tpu.memory_space<hbm>> -> memref<128x128xf32, #tpu.memory_space<hbm>>
    %dma_start3A_102 = arith.constant 0 : i32
    %dma_start3A_103 = tpu.memref_slice %arg4[%add3A_99, %dma_start3A_102] : memref<131072x128xf32, #tpu.memory_space<hbm>> -> memref<128x128xf32, #tpu.memory_space<hbm>>
    tpu.enqueue_dma source(%arg8 : memref<128x128xf32, #tpu.memory_space<vmem>>) target(%dma_start3A_103 : memref<128x128xf32, #tpu.memory_space<hbm>>) target_semaphore(%arg15 : memref<!tpu.dma_semaphore, #tpu.memory_space<semaphore_mem>>)
    %add3A_104 = arith.constant 1152 : i32
    %add3A_105 = arith.addi %add3A_39, %add3A_104 : i32
    %dma_start3A_106 = arith.constant 0 : i32
    %dma_start3A_107 = tpu.memref_slice %arg4[%add3A_105, %dma_start3A_106] : memref<131072x128xf32, #tpu.memory_space<hbm>> -> memref<128x128xf32, #tpu.memory_space<hbm>>
    %dma_start3A_108 = arith.constant 0 : i32
    %dma_start3A_109 = tpu.memref_slice %arg4[%add3A_105, %dma_start3A_108] : memref<131072x128xf32, #tpu.memory_space<hbm>> -> memref<128x128xf32, #tpu.memory_space<hbm>>
    tpu.enqueue_dma source(%arg8 : memref<128x128xf32, #tpu.memory_space<vmem>>) target(%dma_start3A_109 : memref<128x128xf32, #tpu.memory_space<hbm>>) target_semaphore(%arg15 : memref<!tpu.dma_semaphore, #tpu.memory_space<semaphore_mem>>)
    %add3A_110 = arith.constant 1280 : i32
    %add3A_111 = arith.addi %add3A_39, %add3A_110 : i32
    %dma_start3A_112 = arith.constant 0 : i32
    %dma_start3A_113 = tpu.memref_slice %arg4[%add3A_111, %dma_start3A_112] : memref<131072x128xf32, #tpu.memory_space<hbm>> -> memref<128x128xf32, #tpu.memory_space<hbm>>
    %dma_start3A_114 = arith.constant 0 : i32
    %dma_start3A_115 = tpu.memref_slice %arg4[%add3A_111, %dma_start3A_114] : memref<131072x128xf32, #tpu.memory_space<hbm>> -> memref<128x128xf32, #tpu.memory_space<hbm>>
    tpu.enqueue_dma source(%arg8 : memref<128x128xf32, #tpu.memory_space<vmem>>) target(%dma_start3A_115 : memref<128x128xf32, #tpu.memory_space<hbm>>) target_semaphore(%arg15 : memref<!tpu.dma_semaphore, #tpu.memory_space<semaphore_mem>>)
    %add3A_116 = arith.constant 1408 : i32
    %add3A_117 = arith.addi %add3A_39, %add3A_116 : i32
    %dma_start3A_118 = arith.constant 0 : i32
    %dma_start3A_119 = tpu.memref_slice %arg4[%add3A_117, %dma_start3A_118] : memref<131072x128xf32, #tpu.memory_space<hbm>> -> memref<128x128xf32, #tpu.memory_space<hbm>>
    %dma_start3A_120 = arith.constant 0 : i32
    %dma_start3A_121 = tpu.memref_slice %arg4[%add3A_117, %dma_start3A_120] : memref<131072x128xf32, #tpu.memory_space<hbm>> -> memref<128x128xf32, #tpu.memory_space<hbm>>
    tpu.enqueue_dma source(%arg8 : memref<128x128xf32, #tpu.memory_space<vmem>>) target(%dma_start3A_121 : memref<128x128xf32, #tpu.memory_space<hbm>>) target_semaphore(%arg15 : memref<!tpu.dma_semaphore, #tpu.memory_space<semaphore_mem>>)
    %add3A_122 = arith.constant 1536 : i32
    %add3A_123 = arith.addi %add3A_39, %add3A_122 : i32
    %dma_start3A_124 = arith.constant 0 : i32
    %dma_start3A_125 = tpu.memref_slice %arg4[%add3A_123, %dma_start3A_124] : memref<131072x128xf32, #tpu.memory_space<hbm>> -> memref<128x128xf32, #tpu.memory_space<hbm>>
    %dma_start3A_126 = arith.constant 0 : i32
    %dma_start3A_127 = tpu.memref_slice %arg4[%add3A_123, %dma_start3A_126] : memref<131072x128xf32, #tpu.memory_space<hbm>> -> memref<128x128xf32, #tpu.memory_space<hbm>>
    tpu.enqueue_dma source(%arg8 : memref<128x128xf32, #tpu.memory_space<vmem>>) target(%dma_start3A_127 : memref<128x128xf32, #tpu.memory_space<hbm>>) target_semaphore(%arg15 : memref<!tpu.dma_semaphore, #tpu.memory_space<semaphore_mem>>)
    %add3A_128 = arith.constant 1664 : i32
    %add3A_129 = arith.addi %add3A_39, %add3A_128 : i32
    %dma_start3A_130 = arith.constant 0 : i32
    %dma_start3A_131 = tpu.memref_slice %arg4[%add3A_129, %dma_start3A_130] : memref<131072x128xf32, #tpu.memory_space<hbm>> -> memref<128x128xf32, #tpu.memory_space<hbm>>
    %dma_start3A_132 = arith.constant 0 : i32
    %dma_start3A_133 = tpu.memref_slice %arg4[%add3A_129, %dma_start3A_132] : memref<131072x128xf32, #tpu.memory_space<hbm>> -> memref<128x128xf32, #tpu.memory_space<hbm>>
    tpu.enqueue_dma source(%arg8 : memref<128x128xf32, #tpu.memory_space<vmem>>) target(%dma_start3A_133 : memref<128x128xf32, #tpu.memory_space<hbm>>) target_semaphore(%arg15 : memref<!tpu.dma_semaphore, #tpu.memory_space<semaphore_mem>>)
    %add3A_134 = arith.constant 1792 : i32
    %add3A_135 = arith.addi %add3A_39, %add3A_134 : i32
    %dma_start3A_136 = arith.constant 0 : i32
    %dma_start3A_137 = tpu.memref_slice %arg4[%add3A_135, %dma_start3A_136] : memref<131072x128xf32, #tpu.memory_space<hbm>> -> memref<128x128xf32, #tpu.memory_space<hbm>>
    %dma_start3A_138 = arith.constant 0 : i32
    %dma_start3A_139 = tpu.memref_slice %arg4[%add3A_135, %dma_start3A_138] : memref<131072x128xf32, #tpu.memory_space<hbm>> -> memref<128x128xf32, #tpu.memory_space<hbm>>
    tpu.enqueue_dma source(%arg8 : memref<128x128xf32, #tpu.memory_space<vmem>>) target(%dma_start3A_139 : memref<128x128xf32, #tpu.memory_space<hbm>>) target_semaphore(%arg15 : memref<!tpu.dma_semaphore, #tpu.memory_space<semaphore_mem>>)
    %add3A_140 = arith.constant 1920 : i32
    %add3A_141 = arith.addi %add3A_39, %add3A_140 : i32
    %dma_start3A_142 = arith.constant 0 : i32
    %dma_start3A_143 = tpu.memref_slice %arg4[%add3A_141, %dma_start3A_142] : memref<131072x128xf32, #tpu.memory_space<hbm>> -> memref<128x128xf32, #tpu.memory_space<hbm>>
    %dma_start3A_144 = arith.constant 0 : i32
    %dma_start3A_145 = tpu.memref_slice %arg4[%add3A_141, %dma_start3A_144] : memref<131072x128xf32, #tpu.memory_space<hbm>> -> memref<128x128xf32, #tpu.memory_space<hbm>>
    tpu.enqueue_dma source(%arg8 : memref<128x128xf32, #tpu.memory_space<vmem>>) target(%dma_start3A_145 : memref<128x128xf32, #tpu.memory_space<hbm>>) target_semaphore(%arg15 : memref<!tpu.dma_semaphore, #tpu.memory_space<semaphore_mem>>)
    %add3A_146 = arith.constant 0 : i32
    %add3A_147 = arith.addi %mul3A_2, %add3A_146 : i32
    %dma_start3A_148 = arith.constant 0 : i32
    %dma_start3A_149 = tpu.memref_slice %arg2[%add3A_147, %dma_start3A_148] : memref<65536x128xf32, #tpu.memory_space<hbm>> -> memref<256x128xf32, #tpu.memory_space<hbm>>
    %dma_start3A_150 = arith.constant 0 : i32
    %dma_start3A_151 = tpu.memref_slice %arg2[%add3A_147, %dma_start3A_150] : memref<65536x128xf32, #tpu.memory_space<hbm>> -> memref<256x128xf32, #tpu.memory_space<hbm>>
    tpu.enqueue_dma source(%dma_start3A_151 : memref<256x128xf32, #tpu.memory_space<hbm>>) target(%arg5 : memref<256x128xf32, #tpu.memory_space<vmem>>) target_semaphore(%arg9 : memref<!tpu.dma_semaphore, #tpu.memory_space<semaphore_mem>>)
    %dma_wait3A_152 = arith.constant 0 : i32
    %dma_wait3A_153 = tpu.memref_slice %arg2[%add3A_147, %dma_wait3A_152] : memref<65536x128xf32, #tpu.memory_space<hbm>> -> memref<256x128xf32, #tpu.memory_space<hbm>>
    %dma_wait3A_154 = arith.constant 0 : i32
    %dma_wait3A_155 = tpu.memref_slice %arg2[%add3A_147, %dma_wait3A_154] : memref<65536x128xf32, #tpu.memory_space<hbm>> -> memref<256x128xf32, #tpu.memory_space<hbm>>
    tpu.wait_dma2 semaphore(%arg9 : memref<!tpu.dma_semaphore, #tpu.memory_space<semaphore_mem>>) src(%dma_wait3A_155 : memref<256x128xf32, #tpu.memory_space<hbm>>) dst(%arg5 : memref<256x128xf32, #tpu.memory_space<vmem>>)
    %add3A_156 = arith.constant 0 : i32
    %add3A_157 = arith.addi %add3A_37, %add3A_156 : i32
    %dma_start3A_158 = arith.constant 0 : i32
    %dma_start3A_159 = tpu.memref_slice %arg4[%add3A_157, %dma_start3A_158] : memref<131072x128xf32, #tpu.memory_space<hbm>> -> memref<256x128xf32, #tpu.memory_space<hbm>>
    %dma_start3A_160 = arith.constant 0 : i32
    %dma_start3A_161 = tpu.memref_slice %arg4[%add3A_157, %dma_start3A_160] : memref<131072x128xf32, #tpu.memory_space<hbm>> -> memref<256x128xf32, #tpu.memory_space<hbm>>
    tpu.enqueue_dma source(%arg5 : memref<256x128xf32, #tpu.memory_space<vmem>>) target(%dma_start3A_161 : memref<256x128xf32, #tpu.memory_space<hbm>>) target_semaphore(%arg12 : memref<!tpu.dma_semaphore, #tpu.memory_space<semaphore_mem>>)
    %add3A_162 = arith.constant 256 : i32
    %add3A_163 = arith.addi %mul3A_2, %add3A_162 : i32
    %dma_start3A_164 = arith.constant 0 : i32
    %dma_start3A_165 = tpu.memref_slice %arg2[%add3A_163, %dma_start3A_164] : memref<65536x128xf32, #tpu.memory_space<hbm>> -> memref<256x128xf32, #tpu.memory_space<hbm>>
    %dma_start3A_166 = arith.constant 0 : i32
    %dma_start3A_167 = tpu.memref_slice %arg2[%add3A_163, %dma_start3A_166] : memref<65536x128xf32, #tpu.memory_space<hbm>> -> memref<256x128xf32, #tpu.memory_space<hbm>>
    tpu.enqueue_dma source(%dma_start3A_167 : memref<256x128xf32, #tpu.memory_space<hbm>>) target(%arg6 : memref<256x128xf32, #tpu.memory_space<vmem>>) target_semaphore(%arg10 : memref<!tpu.dma_semaphore, #tpu.memory_space<semaphore_mem>>)
    %dma_wait3A_168 = arith.constant 0 : i32
    %dma_wait3A_169 = tpu.memref_slice %arg2[%add3A_163, %dma_wait3A_168] : memref<65536x128xf32, #tpu.memory_space<hbm>> -> memref<256x128xf32, #tpu.memory_space<hbm>>
    %dma_wait3A_170 = arith.constant 0 : i32
    %dma_wait3A_171 = tpu.memref_slice %arg2[%add3A_163, %dma_wait3A_170] : memref<65536x128xf32, #tpu.memory_space<hbm>> -> memref<256x128xf32, #tpu.memory_space<hbm>>
    tpu.wait_dma2 semaphore(%arg10 : memref<!tpu.dma_semaphore, #tpu.memory_space<semaphore_mem>>) src(%dma_wait3A_171 : memref<256x128xf32, #tpu.memory_space<hbm>>) dst(%arg6 : memref<256x128xf32, #tpu.memory_space<vmem>>)
    %add3A_172 = arith.constant 256 : i32
    %add3A_173 = arith.addi %add3A_37, %add3A_172 : i32
    %dma_start3A_174 = arith.constant 0 : i32
    %dma_start3A_175 = tpu.memref_slice %arg4[%add3A_173, %dma_start3A_174] : memref<131072x128xf32, #tpu.memory_space<hbm>> -> memref<256x128xf32, #tpu.memory_space<hbm>>
    %dma_start3A_176 = arith.constant 0 : i32
    %dma_start3A_177 = tpu.memref_slice %arg4[%add3A_173, %dma_start3A_176] : memref<131072x128xf32, #tpu.memory_space<hbm>> -> memref<256x128xf32, #tpu.memory_space<hbm>>
    tpu.enqueue_dma source(%arg6 : memref<256x128xf32, #tpu.memory_space<vmem>>) target(%dma_start3A_177 : memref<256x128xf32, #tpu.memory_space<hbm>>) target_semaphore(%arg13 : memref<!tpu.dma_semaphore, #tpu.memory_space<semaphore_mem>>)
    %add3A_178 = arith.constant 512 : i32
    %add3A_179 = arith.addi %mul3A_2, %add3A_178 : i32
    %dma_start3A_180 = arith.constant 0 : i32
    %dma_start3A_181 = tpu.memref_slice %arg2[%add3A_179, %dma_start3A_180] : memref<65536x128xf32, #tpu.memory_space<hbm>> -> memref<256x128xf32, #tpu.memory_space<hbm>>
    %dma_start3A_182 = arith.constant 0 : i32
    %dma_start3A_183 = tpu.memref_slice %arg2[%add3A_179, %dma_start3A_182] : memref<65536x128xf32, #tpu.memory_space<hbm>> -> memref<256x128xf32, #tpu.memory_space<hbm>>
    tpu.enqueue_dma source(%dma_start3A_183 : memref<256x128xf32, #tpu.memory_space<hbm>>) target(%arg7 : memref<256x128xf32, #tpu.memory_space<vmem>>) target_semaphore(%arg11 : memref<!tpu.dma_semaphore, #tpu.memory_space<semaphore_mem>>)
    %dma_wait3A_184 = arith.constant 0 : i32
    %dma_wait3A_185 = tpu.memref_slice %arg2[%add3A_179, %dma_wait3A_184] : memref<65536x128xf32, #tpu.memory_space<hbm>> -> memref<256x128xf32, #tpu.memory_space<hbm>>
    %dma_wait3A_186 = arith.constant 0 : i32
    %dma_wait3A_187 = tpu.memref_slice %arg2[%add3A_179, %dma_wait3A_186] : memref<65536x128xf32, #tpu.memory_space<hbm>> -> memref<256x128xf32, #tpu.memory_space<hbm>>
    tpu.wait_dma2 semaphore(%arg11 : memref<!tpu.dma_semaphore, #tpu.memory_space<semaphore_mem>>) src(%dma_wait3A_187 : memref<256x128xf32, #tpu.memory_space<hbm>>) dst(%arg7 : memref<256x128xf32, #tpu.memory_space<vmem>>)
    %add3A_188 = arith.constant 512 : i32
    %add3A_189 = arith.addi %add3A_37, %add3A_188 : i32
    %dma_start3A_190 = arith.constant 0 : i32
    %dma_start3A_191 = tpu.memref_slice %arg4[%add3A_189, %dma_start3A_190] : memref<131072x128xf32, #tpu.memory_space<hbm>> -> memref<256x128xf32, #tpu.memory_space<hbm>>
    %dma_start3A_192 = arith.constant 0 : i32
    %dma_start3A_193 = tpu.memref_slice %arg4[%add3A_189, %dma_start3A_192] : memref<131072x128xf32, #tpu.memory_space<hbm>> -> memref<256x128xf32, #tpu.memory_space<hbm>>
    tpu.enqueue_dma source(%arg7 : memref<256x128xf32, #tpu.memory_space<vmem>>) target(%dma_start3A_193 : memref<256x128xf32, #tpu.memory_space<hbm>>) target_semaphore(%arg14 : memref<!tpu.dma_semaphore, #tpu.memory_space<semaphore_mem>>)
    %dma_wait3A_194 = arith.constant 0 : i32
    %dma_wait3A_195 = tpu.memref_slice %arg4[%add3A_157, %dma_wait3A_194] : memref<131072x128xf32, #tpu.memory_space<hbm>> -> memref<256x128xf32, #tpu.memory_space<hbm>>
    %dma_wait3A_196 = arith.constant 0 : i32
    %dma_wait3A_197 = tpu.memref_slice %arg4[%add3A_157, %dma_wait3A_196] : memref<131072x128xf32, #tpu.memory_space<hbm>> -> memref<256x128xf32, #tpu.memory_space<hbm>>
    tpu.wait_dma2 semaphore(%arg12 : memref<!tpu.dma_semaphore, #tpu.memory_space<semaphore_mem>>) src(%arg5 : memref<256x128xf32, #tpu.memory_space<vmem>>) dst(%dma_wait3A_197 : memref<256x128xf32, #tpu.memory_space<hbm>>)
    %add3A_198 = arith.constant 768 : i32
    %add3A_199 = arith.addi %mul3A_2, %add3A_198 : i32
    %dma_start3A_200 = arith.constant 0 : i32
    %dma_start3A_201 = tpu.memref_slice %arg2[%add3A_199, %dma_start3A_200] : memref<65536x128xf32, #tpu.memory_space<hbm>> -> memref<256x128xf32, #tpu.memory_space<hbm>>
    %dma_start3A_202 = arith.constant 0 : i32
    %dma_start3A_203 = tpu.memref_slice %arg2[%add3A_199, %dma_start3A_202] : memref<65536x128xf32, #tpu.memory_space<hbm>> -> memref<256x128xf32, #tpu.memory_space<hbm>>
    tpu.enqueue_dma source(%dma_start3A_203 : memref<256x128xf32, #tpu.memory_space<hbm>>) target(%arg5 : memref<256x128xf32, #tpu.memory_space<vmem>>) target_semaphore(%arg9 : memref<!tpu.dma_semaphore, #tpu.memory_space<semaphore_mem>>)
    %dma_wait3A_204 = arith.constant 0 : i32
    %dma_wait3A_205 = tpu.memref_slice %arg2[%add3A_199, %dma_wait3A_204] : memref<65536x128xf32, #tpu.memory_space<hbm>> -> memref<256x128xf32, #tpu.memory_space<hbm>>
    %dma_wait3A_206 = arith.constant 0 : i32
    %dma_wait3A_207 = tpu.memref_slice %arg2[%add3A_199, %dma_wait3A_206] : memref<65536x128xf32, #tpu.memory_space<hbm>> -> memref<256x128xf32, #tpu.memory_space<hbm>>
    tpu.wait_dma2 semaphore(%arg9 : memref<!tpu.dma_semaphore, #tpu.memory_space<semaphore_mem>>) src(%dma_wait3A_207 : memref<256x128xf32, #tpu.memory_space<hbm>>) dst(%arg5 : memref<256x128xf32, #tpu.memory_space<vmem>>)
    %add3A_208 = arith.constant 768 : i32
    %add3A_209 = arith.addi %add3A_37, %add3A_208 : i32
    %dma_start3A_210 = arith.constant 0 : i32
    %dma_start3A_211 = tpu.memref_slice %arg4[%add3A_209, %dma_start3A_210] : memref<131072x128xf32, #tpu.memory_space<hbm>> -> memref<256x128xf32, #tpu.memory_space<hbm>>
    %dma_start3A_212 = arith.constant 0 : i32
    %dma_start3A_213 = tpu.memref_slice %arg4[%add3A_209, %dma_start3A_212] : memref<131072x128xf32, #tpu.memory_space<hbm>> -> memref<256x128xf32, #tpu.memory_space<hbm>>
    tpu.enqueue_dma source(%arg5 : memref<256x128xf32, #tpu.memory_space<vmem>>) target(%dma_start3A_213 : memref<256x128xf32, #tpu.memory_space<hbm>>) target_semaphore(%arg12 : memref<!tpu.dma_semaphore, #tpu.memory_space<semaphore_mem>>)
    %dma_wait3A_214 = arith.constant 0 : i32
    %dma_wait3A_215 = tpu.memref_slice %arg4[%add3A_173, %dma_wait3A_214] : memref<131072x128xf32, #tpu.memory_space<hbm>> -> memref<256x128xf32, #tpu.memory_space<hbm>>
    %dma_wait3A_216 = arith.constant 0 : i32
    %dma_wait3A_217 = tpu.memref_slice %arg4[%add3A_173, %dma_wait3A_216] : memref<131072x128xf32, #tpu.memory_space<hbm>> -> memref<256x128xf32, #tpu.memory_space<hbm>>
    tpu.wait_dma2 semaphore(%arg13 : memref<!tpu.dma_semaphore, #tpu.memory_space<semaphore_mem>>) src(%arg6 : memref<256x128xf32, #tpu.memory_space<vmem>>) dst(%dma_wait3A_217 : memref<256x128xf32, #tpu.memory_space<hbm>>)
    %add3A_218 = arith.constant 1024 : i32
    %add3A_219 = arith.addi %mul3A_2, %add3A_218 : i32
    %dma_start3A_220 = arith.constant 0 : i32
    %dma_start3A_221 = tpu.memref_slice %arg2[%add3A_219, %dma_start3A_220] : memref<65536x128xf32, #tpu.memory_space<hbm>> -> memref<256x128xf32, #tpu.memory_space<hbm>>
    %dma_start3A_222 = arith.constant 0 : i32
    %dma_start3A_223 = tpu.memref_slice %arg2[%add3A_219, %dma_start3A_222] : memref<65536x128xf32, #tpu.memory_space<hbm>> -> memref<256x128xf32, #tpu.memory_space<hbm>>
    tpu.enqueue_dma source(%dma_start3A_223 : memref<256x128xf32, #tpu.memory_space<hbm>>) target(%arg6 : memref<256x128xf32, #tpu.memory_space<vmem>>) target_semaphore(%arg10 : memref<!tpu.dma_semaphore, #tpu.memory_space<semaphore_mem>>)
    %dma_wait3A_224 = arith.constant 0 : i32
    %dma_wait3A_225 = tpu.memref_slice %arg2[%add3A_219, %dma_wait3A_224] : memref<65536x128xf32, #tpu.memory_space<hbm>> -> memref<256x128xf32, #tpu.memory_space<hbm>>
    %dma_wait3A_226 = arith.constant 0 : i32
    %dma_wait3A_227 = tpu.memref_slice %arg2[%add3A_219, %dma_wait3A_226] : memref<65536x128xf32, #tpu.memory_space<hbm>> -> memref<256x128xf32, #tpu.memory_space<hbm>>
    tpu.wait_dma2 semaphore(%arg10 : memref<!tpu.dma_semaphore, #tpu.memory_space<semaphore_mem>>) src(%dma_wait3A_227 : memref<256x128xf32, #tpu.memory_space<hbm>>) dst(%arg6 : memref<256x128xf32, #tpu.memory_space<vmem>>)
    %add3A_228 = arith.constant 1024 : i32
    %add3A_229 = arith.addi %add3A_37, %add3A_228 : i32
    %dma_start3A_230 = arith.constant 0 : i32
    %dma_start3A_231 = tpu.memref_slice %arg4[%add3A_229, %dma_start3A_230] : memref<131072x128xf32, #tpu.memory_space<hbm>> -> memref<256x128xf32, #tpu.memory_space<hbm>>
    %dma_start3A_232 = arith.constant 0 : i32
    %dma_start3A_233 = tpu.memref_slice %arg4[%add3A_229, %dma_start3A_232] : memref<131072x128xf32, #tpu.memory_space<hbm>> -> memref<256x128xf32, #tpu.memory_space<hbm>>
    tpu.enqueue_dma source(%arg6 : memref<256x128xf32, #tpu.memory_space<vmem>>) target(%dma_start3A_233 : memref<256x128xf32, #tpu.memory_space<hbm>>) target_semaphore(%arg13 : memref<!tpu.dma_semaphore, #tpu.memory_space<semaphore_mem>>)
    %dma_wait3A_234 = arith.constant 0 : i32
    %dma_wait3A_235 = tpu.memref_slice %arg4[%add3A_189, %dma_wait3A_234] : memref<131072x128xf32, #tpu.memory_space<hbm>> -> memref<256x128xf32, #tpu.memory_space<hbm>>
    %dma_wait3A_236 = arith.constant 0 : i32
    %dma_wait3A_237 = tpu.memref_slice %arg4[%add3A_189, %dma_wait3A_236] : memref<131072x128xf32, #tpu.memory_space<hbm>> -> memref<256x128xf32, #tpu.memory_space<hbm>>
    tpu.wait_dma2 semaphore(%arg14 : memref<!tpu.dma_semaphore, #tpu.memory_space<semaphore_mem>>) src(%arg7 : memref<256x128xf32, #tpu.memory_space<vmem>>) dst(%dma_wait3A_237 : memref<256x128xf32, #tpu.memory_space<hbm>>)
    %add3A_238 = arith.constant 1280 : i32
    %add3A_239 = arith.addi %mul3A_2, %add3A_238 : i32
    %dma_start3A_240 = arith.constant 0 : i32
    %dma_start3A_241 = tpu.memref_slice %arg2[%add3A_239, %dma_start3A_240] : memref<65536x128xf32, #tpu.memory_space<hbm>> -> memref<256x128xf32, #tpu.memory_space<hbm>>
    %dma_start3A_242 = arith.constant 0 : i32
    %dma_start3A_243 = tpu.memref_slice %arg2[%add3A_239, %dma_start3A_242] : memref<65536x128xf32, #tpu.memory_space<hbm>> -> memref<256x128xf32, #tpu.memory_space<hbm>>
    tpu.enqueue_dma source(%dma_start3A_243 : memref<256x128xf32, #tpu.memory_space<hbm>>) target(%arg7 : memref<256x128xf32, #tpu.memory_space<vmem>>) target_semaphore(%arg11 : memref<!tpu.dma_semaphore, #tpu.memory_space<semaphore_mem>>)
    %dma_wait3A_244 = arith.constant 0 : i32
    %dma_wait3A_245 = tpu.memref_slice %arg2[%add3A_239, %dma_wait3A_244] : memref<65536x128xf32, #tpu.memory_space<hbm>> -> memref<256x128xf32, #tpu.memory_space<hbm>>
    %dma_wait3A_246 = arith.constant 0 : i32
    %dma_wait3A_247 = tpu.memref_slice %arg2[%add3A_239, %dma_wait3A_246] : memref<65536x128xf32, #tpu.memory_space<hbm>> -> memref<256x128xf32, #tpu.memory_space<hbm>>
    tpu.wait_dma2 semaphore(%arg11 : memref<!tpu.dma_semaphore, #tpu.memory_space<semaphore_mem>>) src(%dma_wait3A_247 : memref<256x128xf32, #tpu.memory_space<hbm>>) dst(%arg7 : memref<256x128xf32, #tpu.memory_space<vmem>>)
    %add3A_248 = arith.constant 1280 : i32
    %add3A_249 = arith.addi %add3A_37, %add3A_248 : i32
    %dma_start3A_250 = arith.constant 0 : i32
    %dma_start3A_251 = tpu.memref_slice %arg4[%add3A_249, %dma_start3A_250] : memref<131072x128xf32, #tpu.memory_space<hbm>> -> memref<256x128xf32, #tpu.memory_space<hbm>>
    %dma_start3A_252 = arith.constant 0 : i32
    %dma_start3A_253 = tpu.memref_slice %arg4[%add3A_249, %dma_start3A_252] : memref<131072x128xf32, #tpu.memory_space<hbm>> -> memref<256x128xf32, #tpu.memory_space<hbm>>
    tpu.enqueue_dma source(%arg7 : memref<256x128xf32, #tpu.memory_space<vmem>>) target(%dma_start3A_253 : memref<256x128xf32, #tpu.memory_space<hbm>>) target_semaphore(%arg14 : memref<!tpu.dma_semaphore, #tpu.memory_space<semaphore_mem>>)
    %dma_wait3A_254 = arith.constant 0 : i32
    %dma_wait3A_255 = tpu.memref_slice %arg4[%add3A_209, %dma_wait3A_254] : memref<131072x128xf32, #tpu.memory_space<hbm>> -> memref<256x128xf32, #tpu.memory_space<hbm>>
    %dma_wait3A_256 = arith.constant 0 : i32
    %dma_wait3A_257 = tpu.memref_slice %arg4[%add3A_209, %dma_wait3A_256] : memref<131072x128xf32, #tpu.memory_space<hbm>> -> memref<256x128xf32, #tpu.memory_space<hbm>>
    tpu.wait_dma2 semaphore(%arg12 : memref<!tpu.dma_semaphore, #tpu.memory_space<semaphore_mem>>) src(%arg5 : memref<256x128xf32, #tpu.memory_space<vmem>>) dst(%dma_wait3A_257 : memref<256x128xf32, #tpu.memory_space<hbm>>)
    %add3A_258 = arith.constant 1536 : i32
    %add3A_259 = arith.addi %mul3A_2, %add3A_258 : i32
    %dma_start3A_260 = arith.constant 0 : i32
    %dma_start3A_261 = tpu.memref_slice %arg2[%add3A_259, %dma_start3A_260] : memref<65536x128xf32, #tpu.memory_space<hbm>> -> memref<256x128xf32, #tpu.memory_space<hbm>>
    %dma_start3A_262 = arith.constant 0 : i32
    %dma_start3A_263 = tpu.memref_slice %arg2[%add3A_259, %dma_start3A_262] : memref<65536x128xf32, #tpu.memory_space<hbm>> -> memref<256x128xf32, #tpu.memory_space<hbm>>
    tpu.enqueue_dma source(%dma_start3A_263 : memref<256x128xf32, #tpu.memory_space<hbm>>) target(%arg5 : memref<256x128xf32, #tpu.memory_space<vmem>>) target_semaphore(%arg9 : memref<!tpu.dma_semaphore, #tpu.memory_space<semaphore_mem>>)
    %dma_wait3A_264 = arith.constant 0 : i32
    %dma_wait3A_265 = tpu.memref_slice %arg2[%add3A_259, %dma_wait3A_264] : memref<65536x128xf32, #tpu.memory_space<hbm>> -> memref<256x128xf32, #tpu.memory_space<hbm>>
    %dma_wait3A_266 = arith.constant 0 : i32
    %dma_wait3A_267 = tpu.memref_slice %arg2[%add3A_259, %dma_wait3A_266] : memref<65536x128xf32, #tpu.memory_space<hbm>> -> memref<256x128xf32, #tpu.memory_space<hbm>>
    tpu.wait_dma2 semaphore(%arg9 : memref<!tpu.dma_semaphore, #tpu.memory_space<semaphore_mem>>) src(%dma_wait3A_267 : memref<256x128xf32, #tpu.memory_space<hbm>>) dst(%arg5 : memref<256x128xf32, #tpu.memory_space<vmem>>)
    %add3A_268 = arith.constant 1536 : i32
    %add3A_269 = arith.addi %add3A_37, %add3A_268 : i32
    %dma_start3A_270 = arith.constant 0 : i32
    %dma_start3A_271 = tpu.memref_slice %arg4[%add3A_269, %dma_start3A_270] : memref<131072x128xf32, #tpu.memory_space<hbm>> -> memref<256x128xf32, #tpu.memory_space<hbm>>
    %dma_start3A_272 = arith.constant 0 : i32
    %dma_start3A_273 = tpu.memref_slice %arg4[%add3A_269, %dma_start3A_272] : memref<131072x128xf32, #tpu.memory_space<hbm>> -> memref<256x128xf32, #tpu.memory_space<hbm>>
    tpu.enqueue_dma source(%arg5 : memref<256x128xf32, #tpu.memory_space<vmem>>) target(%dma_start3A_273 : memref<256x128xf32, #tpu.memory_space<hbm>>) target_semaphore(%arg12 : memref<!tpu.dma_semaphore, #tpu.memory_space<semaphore_mem>>)
    %dma_wait3A_274 = arith.constant 0 : i32
    %dma_wait3A_275 = tpu.memref_slice %arg4[%add3A_229, %dma_wait3A_274] : memref<131072x128xf32, #tpu.memory_space<hbm>> -> memref<256x128xf32, #tpu.memory_space<hbm>>
    %dma_wait3A_276 = arith.constant 0 : i32
    %dma_wait3A_277 = tpu.memref_slice %arg4[%add3A_229, %dma_wait3A_276] : memref<131072x128xf32, #tpu.memory_space<hbm>> -> memref<256x128xf32, #tpu.memory_space<hbm>>
    tpu.wait_dma2 semaphore(%arg13 : memref<!tpu.dma_semaphore, #tpu.memory_space<semaphore_mem>>) src(%arg6 : memref<256x128xf32, #tpu.memory_space<vmem>>) dst(%dma_wait3A_277 : memref<256x128xf32, #tpu.memory_space<hbm>>)
    %add3A_278 = arith.constant 1792 : i32
    %add3A_279 = arith.addi %mul3A_2, %add3A_278 : i32
    %dma_start3A_280 = arith.constant 0 : i32
    %dma_start3A_281 = tpu.memref_slice %arg2[%add3A_279, %dma_start3A_280] : memref<65536x128xf32, #tpu.memory_space<hbm>> -> memref<256x128xf32, #tpu.memory_space<hbm>>
    %dma_start3A_282 = arith.constant 0 : i32
    %dma_start3A_283 = tpu.memref_slice %arg2[%add3A_279, %dma_start3A_282] : memref<65536x128xf32, #tpu.memory_space<hbm>> -> memref<256x128xf32, #tpu.memory_space<hbm>>
    tpu.enqueue_dma source(%dma_start3A_283 : memref<256x128xf32, #tpu.memory_space<hbm>>) target(%arg6 : memref<256x128xf32, #tpu.memory_space<vmem>>) target_semaphore(%arg10 : memref<!tpu.dma_semaphore, #tpu.memory_space<semaphore_mem>>)
    %dma_wait3A_284 = arith.constant 0 : i32
    %dma_wait3A_285 = tpu.memref_slice %arg2[%add3A_279, %dma_wait3A_284] : memref<65536x128xf32, #tpu.memory_space<hbm>> -> memref<256x128xf32, #tpu.memory_space<hbm>>
    %dma_wait3A_286 = arith.constant 0 : i32
    %dma_wait3A_287 = tpu.memref_slice %arg2[%add3A_279, %dma_wait3A_286] : memref<65536x128xf32, #tpu.memory_space<hbm>> -> memref<256x128xf32, #tpu.memory_space<hbm>>
    tpu.wait_dma2 semaphore(%arg10 : memref<!tpu.dma_semaphore, #tpu.memory_space<semaphore_mem>>) src(%dma_wait3A_287 : memref<256x128xf32, #tpu.memory_space<hbm>>) dst(%arg6 : memref<256x128xf32, #tpu.memory_space<vmem>>)
    %add3A_288 = arith.constant 1792 : i32
    %add3A_289 = arith.addi %add3A_37, %add3A_288 : i32
    %dma_start3A_290 = arith.constant 0 : i32
    %dma_start3A_291 = tpu.memref_slice %arg4[%add3A_289, %dma_start3A_290] : memref<131072x128xf32, #tpu.memory_space<hbm>> -> memref<256x128xf32, #tpu.memory_space<hbm>>
    %dma_start3A_292 = arith.constant 0 : i32
    %dma_start3A_293 = tpu.memref_slice %arg4[%add3A_289, %dma_start3A_292] : memref<131072x128xf32, #tpu.memory_space<hbm>> -> memref<256x128xf32, #tpu.memory_space<hbm>>
    tpu.enqueue_dma source(%arg6 : memref<256x128xf32, #tpu.memory_space<vmem>>) target(%dma_start3A_293 : memref<256x128xf32, #tpu.memory_space<hbm>>) target_semaphore(%arg13 : memref<!tpu.dma_semaphore, #tpu.memory_space<semaphore_mem>>)
    %dma_wait3A_294 = arith.constant 0 : i32
    %dma_wait3A_295 = tpu.memref_slice %arg4[%add3A_249, %dma_wait3A_294] : memref<131072x128xf32, #tpu.memory_space<hbm>> -> memref<256x128xf32, #tpu.memory_space<hbm>>
    %dma_wait3A_296 = arith.constant 0 : i32
    %dma_wait3A_297 = tpu.memref_slice %arg4[%add3A_249, %dma_wait3A_296] : memref<131072x128xf32, #tpu.memory_space<hbm>> -> memref<256x128xf32, #tpu.memory_space<hbm>>
    tpu.wait_dma2 semaphore(%arg14 : memref<!tpu.dma_semaphore, #tpu.memory_space<semaphore_mem>>) src(%arg7 : memref<256x128xf32, #tpu.memory_space<vmem>>) dst(%dma_wait3A_297 : memref<256x128xf32, #tpu.memory_space<hbm>>)
    %dma_wait3A_298 = arith.constant 0 : i32
    %dma_wait3A_299 = tpu.memref_slice %arg4[%add3A_269, %dma_wait3A_298] : memref<131072x128xf32, #tpu.memory_space<hbm>> -> memref<256x128xf32, #tpu.memory_space<hbm>>
    %dma_wait3A_300 = arith.constant 0 : i32
    %dma_wait3A_301 = tpu.memref_slice %arg4[%add3A_269, %dma_wait3A_300] : memref<131072x128xf32, #tpu.memory_space<hbm>> -> memref<256x128xf32, #tpu.memory_space<hbm>>
    tpu.wait_dma2 semaphore(%arg12 : memref<!tpu.dma_semaphore, #tpu.memory_space<semaphore_mem>>) src(%arg5 : memref<256x128xf32, #tpu.memory_space<vmem>>) dst(%dma_wait3A_301 : memref<256x128xf32, #tpu.memory_space<hbm>>)
    %dma_wait3A_302 = arith.constant 0 : i32
    %dma_wait3A_303 = tpu.memref_slice %arg4[%add3A_289, %dma_wait3A_302] : memref<131072x128xf32, #tpu.memory_space<hbm>> -> memref<256x128xf32, #tpu.memory_space<hbm>>
    %dma_wait3A_304 = arith.constant 0 : i32
    %dma_wait3A_305 = tpu.memref_slice %arg4[%add3A_289, %dma_wait3A_304] : memref<131072x128xf32, #tpu.memory_space<hbm>> -> memref<256x128xf32, #tpu.memory_space<hbm>>
    tpu.wait_dma2 semaphore(%arg13 : memref<!tpu.dma_semaphore, #tpu.memory_space<semaphore_mem>>) src(%arg6 : memref<256x128xf32, #tpu.memory_space<vmem>>) dst(%dma_wait3A_305 : memref<256x128xf32, #tpu.memory_space<hbm>>)
    %dma_wait3A_306 = arith.constant 0 : i32
    %dma_wait3A_307 = tpu.memref_slice %arg4[%add3A_51, %dma_wait3A_306] : memref<131072x128xf32, #tpu.memory_space<hbm>> -> memref<128x128xf32, #tpu.memory_space<hbm>>
    %dma_wait3A_308 = arith.constant 0 : i32
    %dma_wait3A_309 = tpu.memref_slice %arg4[%add3A_51, %dma_wait3A_308] : memref<131072x128xf32, #tpu.memory_space<hbm>> -> memref<128x128xf32, #tpu.memory_space<hbm>>
    tpu.wait_dma2 semaphore(%arg15 : memref<!tpu.dma_semaphore, #tpu.memory_space<semaphore_mem>>) src(%arg8 : memref<128x128xf32, #tpu.memory_space<vmem>>) dst(%dma_wait3A_309 : memref<128x128xf32, #tpu.memory_space<hbm>>)
    %dma_wait3A_310 = arith.constant 0 : i32
    %dma_wait3A_311 = tpu.memref_slice %arg4[%add3A_57, %dma_wait3A_310] : memref<131072x128xf32, #tpu.memory_space<hbm>> -> memref<128x128xf32, #tpu.memory_space<hbm>>
    %dma_wait3A_312 = arith.constant 0 : i32
    %dma_wait3A_313 = tpu.memref_slice %arg4[%add3A_57, %dma_wait3A_312] : memref<131072x128xf32, #tpu.memory_space<hbm>> -> memref<128x128xf32, #tpu.memory_space<hbm>>
    tpu.wait_dma2 semaphore(%arg15 : memref<!tpu.dma_semaphore, #tpu.memory_space<semaphore_mem>>) src(%arg8 : memref<128x128xf32, #tpu.memory_space<vmem>>) dst(%dma_wait3A_313 : memref<128x128xf32, #tpu.memory_space<hbm>>)
    %dma_wait3A_314 = arith.constant 0 : i32
    %dma_wait3A_315 = tpu.memref_slice %arg4[%add3A_63, %dma_wait3A_314] : memref<131072x128xf32, #tpu.memory_space<hbm>> -> memref<128x128xf32, #tpu.memory_space<hbm>>
    %dma_wait3A_316 = arith.constant 0 : i32
    %dma_wait3A_317 = tpu.memref_slice %arg4[%add3A_63, %dma_wait3A_316] : memref<131072x128xf32, #tpu.memory_space<hbm>> -> memref<128x128xf32, #tpu.memory_space<hbm>>
    tpu.wait_dma2 semaphore(%arg15 : memref<!tpu.dma_semaphore, #tpu.memory_space<semaphore_mem>>) src(%arg8 : memref<128x128xf32, #tpu.memory_space<vmem>>) dst(%dma_wait3A_317 : memref<128x128xf32, #tpu.memory_space<hbm>>)
    %dma_wait3A_318 = arith.constant 0 : i32
    %dma_wait3A_319 = tpu.memref_slice %arg4[%add3A_69, %dma_wait3A_318] : memref<131072x128xf32, #tpu.memory_space<hbm>> -> memref<128x128xf32, #tpu.memory_space<hbm>>
    %dma_wait3A_320 = arith.constant 0 : i32
    %dma_wait3A_321 = tpu.memref_slice %arg4[%add3A_69, %dma_wait3A_320] : memref<131072x128xf32, #tpu.memory_space<hbm>> -> memref<128x128xf32, #tpu.memory_space<hbm>>
    tpu.wait_dma2 semaphore(%arg15 : memref<!tpu.dma_semaphore, #tpu.memory_space<semaphore_mem>>) src(%arg8 : memref<128x128xf32, #tpu.memory_space<vmem>>) dst(%dma_wait3A_321 : memref<128x128xf32, #tpu.memory_space<hbm>>)
    %dma_wait3A_322 = arith.constant 0 : i32
    %dma_wait3A_323 = tpu.memref_slice %arg4[%add3A_75, %dma_wait3A_322] : memref<131072x128xf32, #tpu.memory_space<hbm>> -> memref<128x128xf32, #tpu.memory_space<hbm>>
    %dma_wait3A_324 = arith.constant 0 : i32
    %dma_wait3A_325 = tpu.memref_slice %arg4[%add3A_75, %dma_wait3A_324] : memref<131072x128xf32, #tpu.memory_space<hbm>> -> memref<128x128xf32, #tpu.memory_space<hbm>>
    tpu.wait_dma2 semaphore(%arg15 : memref<!tpu.dma_semaphore, #tpu.memory_space<semaphore_mem>>) src(%arg8 : memref<128x128xf32, #tpu.memory_space<vmem>>) dst(%dma_wait3A_325 : memref<128x128xf32, #tpu.memory_space<hbm>>)
    %dma_wait3A_326 = arith.constant 0 : i32
    %dma_wait3A_327 = tpu.memref_slice %arg4[%add3A_81, %dma_wait3A_326] : memref<131072x128xf32, #tpu.memory_space<hbm>> -> memref<128x128xf32, #tpu.memory_space<hbm>>
    %dma_wait3A_328 = arith.constant 0 : i32
    %dma_wait3A_329 = tpu.memref_slice %arg4[%add3A_81, %dma_wait3A_328] : memref<131072x128xf32, #tpu.memory_space<hbm>> -> memref<128x128xf32, #tpu.memory_space<hbm>>
    tpu.wait_dma2 semaphore(%arg15 : memref<!tpu.dma_semaphore, #tpu.memory_space<semaphore_mem>>) src(%arg8 : memref<128x128xf32, #tpu.memory_space<vmem>>) dst(%dma_wait3A_329 : memref<128x128xf32, #tpu.memory_space<hbm>>)
    %dma_wait3A_330 = arith.constant 0 : i32
    %dma_wait3A_331 = tpu.memref_slice %arg4[%add3A_87, %dma_wait3A_330] : memref<131072x128xf32, #tpu.memory_space<hbm>> -> memref<128x128xf32, #tpu.memory_space<hbm>>
    %dma_wait3A_332 = arith.constant 0 : i32
    %dma_wait3A_333 = tpu.memref_slice %arg4[%add3A_87, %dma_wait3A_332] : memref<131072x128xf32, #tpu.memory_space<hbm>> -> memref<128x128xf32, #tpu.memory_space<hbm>>
    tpu.wait_dma2 semaphore(%arg15 : memref<!tpu.dma_semaphore, #tpu.memory_space<semaphore_mem>>) src(%arg8 : memref<128x128xf32, #tpu.memory_space<vmem>>) dst(%dma_wait3A_333 : memref<128x128xf32, #tpu.memory_space<hbm>>)
    %dma_wait3A_334 = arith.constant 0 : i32
    %dma_wait3A_335 = tpu.memref_slice %arg4[%add3A_93, %dma_wait3A_334] : memref<131072x128xf32, #tpu.memory_space<hbm>> -> memref<128x128xf32, #tpu.memory_space<hbm>>
    %dma_wait3A_336 = arith.constant 0 : i32
    %dma_wait3A_337 = tpu.memref_slice %arg4[%add3A_93, %dma_wait3A_336] : memref<131072x128xf32, #tpu.memory_space<hbm>> -> memref<128x128xf32, #tpu.memory_space<hbm>>
    tpu.wait_dma2 semaphore(%arg15 : memref<!tpu.dma_semaphore, #tpu.memory_space<semaphore_mem>>) src(%arg8 : memref<128x128xf32, #tpu.memory_space<vmem>>) dst(%dma_wait3A_337 : memref<128x128xf32, #tpu.memory_space<hbm>>)
    %dma_wait3A_338 = arith.constant 0 : i32
    %dma_wait3A_339 = tpu.memref_slice %arg4[%add3A_99, %dma_wait3A_338] : memref<131072x128xf32, #tpu.memory_space<hbm>> -> memref<128x128xf32, #tpu.memory_space<hbm>>
    %dma_wait3A_340 = arith.constant 0 : i32
    %dma_wait3A_341 = tpu.memref_slice %arg4[%add3A_99, %dma_wait3A_340] : memref<131072x128xf32, #tpu.memory_space<hbm>> -> memref<128x128xf32, #tpu.memory_space<hbm>>
    tpu.wait_dma2 semaphore(%arg15 : memref<!tpu.dma_semaphore, #tpu.memory_space<semaphore_mem>>) src(%arg8 : memref<128x128xf32, #tpu.memory_space<vmem>>) dst(%dma_wait3A_341 : memref<128x128xf32, #tpu.memory_space<hbm>>)
    %dma_wait3A_342 = arith.constant 0 : i32
    %dma_wait3A_343 = tpu.memref_slice %arg4[%add3A_105, %dma_wait3A_342] : memref<131072x128xf32, #tpu.memory_space<hbm>> -> memref<128x128xf32, #tpu.memory_space<hbm>>
    %dma_wait3A_344 = arith.constant 0 : i32
    %dma_wait3A_345 = tpu.memref_slice %arg4[%add3A_105, %dma_wait3A_344] : memref<131072x128xf32, #tpu.memory_space<hbm>> -> memref<128x128xf32, #tpu.memory_space<hbm>>
    tpu.wait_dma2 semaphore(%arg15 : memref<!tpu.dma_semaphore, #tpu.memory_space<semaphore_mem>>) src(%arg8 : memref<128x128xf32, #tpu.memory_space<vmem>>) dst(%dma_wait3A_345 : memref<128x128xf32, #tpu.memory_space<hbm>>)
    %dma_wait3A_346 = arith.constant 0 : i32
    %dma_wait3A_347 = tpu.memref_slice %arg4[%add3A_111, %dma_wait3A_346] : memref<131072x128xf32, #tpu.memory_space<hbm>> -> memref<128x128xf32, #tpu.memory_space<hbm>>
    %dma_wait3A_348 = arith.constant 0 : i32
    %dma_wait3A_349 = tpu.memref_slice %arg4[%add3A_111, %dma_wait3A_348] : memref<131072x128xf32, #tpu.memory_space<hbm>> -> memref<128x128xf32, #tpu.memory_space<hbm>>
    tpu.wait_dma2 semaphore(%arg15 : memref<!tpu.dma_semaphore, #tpu.memory_space<semaphore_mem>>) src(%arg8 : memref<128x128xf32, #tpu.memory_space<vmem>>) dst(%dma_wait3A_349 : memref<128x128xf32, #tpu.memory_space<hbm>>)
    %dma_wait3A_350 = arith.constant 0 : i32
    %dma_wait3A_351 = tpu.memref_slice %arg4[%add3A_117, %dma_wait3A_350] : memref<131072x128xf32, #tpu.memory_space<hbm>> -> memref<128x128xf32, #tpu.memory_space<hbm>>
    %dma_wait3A_352 = arith.constant 0 : i32
    %dma_wait3A_353 = tpu.memref_slice %arg4[%add3A_117, %dma_wait3A_352] : memref<131072x128xf32, #tpu.memory_space<hbm>> -> memref<128x128xf32, #tpu.memory_space<hbm>>
    tpu.wait_dma2 semaphore(%arg15 : memref<!tpu.dma_semaphore, #tpu.memory_space<semaphore_mem>>) src(%arg8 : memref<128x128xf32, #tpu.memory_space<vmem>>) dst(%dma_wait3A_353 : memref<128x128xf32, #tpu.memory_space<hbm>>)
    %dma_wait3A_354 = arith.constant 0 : i32
    %dma_wait3A_355 = tpu.memref_slice %arg4[%add3A_123, %dma_wait3A_354] : memref<131072x128xf32, #tpu.memory_space<hbm>> -> memref<128x128xf32, #tpu.memory_space<hbm>>
    %dma_wait3A_356 = arith.constant 0 : i32
    %dma_wait3A_357 = tpu.memref_slice %arg4[%add3A_123, %dma_wait3A_356] : memref<131072x128xf32, #tpu.memory_space<hbm>> -> memref<128x128xf32, #tpu.memory_space<hbm>>
    tpu.wait_dma2 semaphore(%arg15 : memref<!tpu.dma_semaphore, #tpu.memory_space<semaphore_mem>>) src(%arg8 : memref<128x128xf32, #tpu.memory_space<vmem>>) dst(%dma_wait3A_357 : memref<128x128xf32, #tpu.memory_space<hbm>>)
    %dma_wait3A_358 = arith.constant 0 : i32
    %dma_wait3A_359 = tpu.memref_slice %arg4[%add3A_129, %dma_wait3A_358] : memref<131072x128xf32, #tpu.memory_space<hbm>> -> memref<128x128xf32, #tpu.memory_space<hbm>>
    %dma_wait3A_360 = arith.constant 0 : i32
    %dma_wait3A_361 = tpu.memref_slice %arg4[%add3A_129, %dma_wait3A_360] : memref<131072x128xf32, #tpu.memory_space<hbm>> -> memref<128x128xf32, #tpu.memory_space<hbm>>
    tpu.wait_dma2 semaphore(%arg15 : memref<!tpu.dma_semaphore, #tpu.memory_space<semaphore_mem>>) src(%arg8 : memref<128x128xf32, #tpu.memory_space<vmem>>) dst(%dma_wait3A_361 : memref<128x128xf32, #tpu.memory_space<hbm>>)
    %dma_wait3A_362 = arith.constant 0 : i32
    %dma_wait3A_363 = tpu.memref_slice %arg4[%add3A_135, %dma_wait3A_362] : memref<131072x128xf32, #tpu.memory_space<hbm>> -> memref<128x128xf32, #tpu.memory_space<hbm>>
    %dma_wait3A_364 = arith.constant 0 : i32
    %dma_wait3A_365 = tpu.memref_slice %arg4[%add3A_135, %dma_wait3A_364] : memref<131072x128xf32, #tpu.memory_space<hbm>> -> memref<128x128xf32, #tpu.memory_space<hbm>>
    tpu.wait_dma2 semaphore(%arg15 : memref<!tpu.dma_semaphore, #tpu.memory_space<semaphore_mem>>) src(%arg8 : memref<128x128xf32, #tpu.memory_space<vmem>>) dst(%dma_wait3A_365 : memref<128x128xf32, #tpu.memory_space<hbm>>)
    %dma_wait3A_366 = arith.constant 0 : i32
    %dma_wait3A_367 = tpu.memref_slice %arg4[%add3A_141, %dma_wait3A_366] : memref<131072x128xf32, #tpu.memory_space<hbm>> -> memref<128x128xf32, #tpu.memory_space<hbm>>
    %dma_wait3A_368 = arith.constant 0 : i32
    %dma_wait3A_369 = tpu.memref_slice %arg4[%add3A_141, %dma_wait3A_368] : memref<131072x128xf32, #tpu.memory_space<hbm>> -> memref<128x128xf32, #tpu.memory_space<hbm>>
    tpu.wait_dma2 semaphore(%arg15 : memref<!tpu.dma_semaphore, #tpu.memory_space<semaphore_mem>>) src(%arg8 : memref<128x128xf32, #tpu.memory_space<vmem>>) dst(%dma_wait3A_369 : memref<128x128xf32, #tpu.memory_space<hbm>>)
    return
  }
}

</mosaic_0001>

<sc_bundles>
// kernel: kernel.3.cloned.1.call-start
scs
__scs_entry_jumppad:
0x0: {  	(pc) =	sbr.rel $0x88, $3  }
0x1: {  	(tag) =	ssettag $0x0;
	lr =	simm.s32 $0x1  }
0x2: {  	[smem:$0x3FA0] =	sst lr;
	_ =	strace $0xD0000000  }
0x3: {  	_ = 	snop  }
0x4: {  	_ = 	snop  }
0x5: {  	_ = 	snop  }
0x6: {  	_ = 	snop  }
0x7: {  	_ = 	snop  }
__scs_overlays_trampoline_lowered:
0x8: {  	[smem:$0x3FAF] =	sst s0  }
0x9: {  	[smem:$0x3FB0] =	sst s1  }
0xa: {  	[smem:$0x3FB1] =	sst s2  }
0xb: {  	[smem:$0x3FB2] =	sst s3  }
0xc: {  	[smem:$0x3FB3] =	sst s4  }
0xd: {  	[smem:$0x3FB4] =	sst s5  }
0xe: {  	[smem:$0x3FB5] =	sst s6  }
0xf: {  	[smem:$0x3FB6] =	sst s7  }
0x10: {  	[smem:$0x3FB7] =	sst s8  }
0x11: {  	[smem:$0x3FB8] =	sst s9;
	s0 =	simm.s32 @!p0 $0x0  }
0x12: {  	s1 =	sld [smem:$0x3F9E];
	s0 =	simm.s32 @p0 $0x1  }
0x13: {  	[smem:$0x3FB9] =	sst s0;
	s0 =	simm.s32 @!p1 $0x0  }
0x14: {  	s2 =	sld [smem:$0x3F9D];
	s0 =	simm.s32 @p1 $0x1  }
0x15: {  	[smem:$0x3FBA] =	sst s0;
	s0 =	simm.s32 @!p2 $0x0  }
0x16: {  	s3 =	sld [smem:$0x3FDB];
	s0 =	simm.s32 @p2 $0x1  }
0x17: {  	s4 =	simm.s32 $0x1BF5;
	[smem:$0x3FBC] =	sst s0  }
0x18: {  	s0 =	sld [smem:$0x3F9F];
	_ =	swait.ge [sflag:s4], $0x0  }
0x19: {  	s7 =	sld [smem:$0x3FA0]  }
0x1a: {  	s8 =	sadd.s32 $0xFFFFE003, lr  }
0x1b: {  	s9 =	sadd.s32 $0xFFFFFEF7, lr;
	s5 =	simm.s32 $0xFFFFFFFF;
	p2 =	slt.u32 s8, $0xFFFFF086  }
0x1c: {  	p1 =	slt.u32 s9, $0xF7A;
	s5 =	simm.s32 @!p2 $0x0  }
0x1d: {  	s5 =	simm.s32 @p1 $0x1;
	p0 =	seq.s32 s7, s2  }
0x1e: {  	s7 =	smul.u32 @!p0 $0xF7A, s2;
	p2 =	seq.s32 @!p0 s5, $0x0  }
0x1f: {  	s9 =	smul.u32 $0xF7A, s1;
	s8 =	simm.s32 @!p0 $0x1BF5;
	p2 =	por !p2, p0  }
0x20: {  	[sflag:s8] =	ssyncset.s32 @!p0 $0xFFFFF086;
	s6 =	sadd.s32 @!p0 s3, s7;
	s7 =	simm.s32 @!p0 $0x108  }
0x21: {  	s3 =	sadd.s32 s3, s9;
	s6 =	sadd.s32 @!p0 $0x88, s6;
	s7 =	simm.s32 @p2 $0x1082  }
0x22: {  	[simem:s7], [sflag:s8] =	dma.local @!p0 [hbm:s6], $0xF7A  }
0x23: {  	s9 =	sor.u32 $0xD0000000, s2;
	s6 =	simm.s32 $0x108;
	_ =	swait.ge @!p0 [sflag:s8], $0x0  }
0x24: {  	s3 =	sadd.s32 $0x88, s3;
	s6 =	simm.s32 @!p1 $0x1082;
	[sflag:s4] =	ssyncset.s32 $0xFFFFF086  }
0x25: {  	[simem:s6], [sflag:s4] =	dma.local [hbm:s3], $0xF7A  }
0x26: {  	[smem:$0x3FA0] =	sst s1;
	(tag) =	ssettag s2;
	_ =	strace s9  }
0x27: {  	s1 =	sld [smem:$0x3FB0]  }
0x28: {  	s2 =	sld [smem:$0x3FB1]  }
0x29: {  	s4 =	sld [smem:$0x3FB3]  }
0x2a: {  	p0 =	seq.s32 s5, $0x0;
	s5 =	sld [smem:$0x3FB4]  }
0x2b: {  	s6 =	sld [smem:$0x3FB5]  }
0x2c: {  	s7 =	sld [smem:$0x3FB6]  }
0x2d: {  	s3 =	simm.s32 $0x108;
	s8 =	sld [smem:$0x3FB7]  }
0x2e: {  	s3 =	simm.s32 @!p0 $0x1082;
	s9 =	sld [smem:$0x3FB8]  }
0x2f: {  	lr =	sadd.s32 s0, s3;
	s0 =	sld [smem:$0x3FAF]  }
0x30: {  	s3 =	sld [smem:$0x3FB2]  }
0x31: {  	[smem:$0x3FBB] =	sst s10  }
0x32: {  	s10 =	sld [smem:$0x3FB9];
	_ =	sdelay $0x3  }
0x33: {  	p0 =	seq.s32 s10, $0x1;
	s10 =	sld [smem:$0x3FBB];
	_ =	sdelay $0x3  }
0x34: {  	[smem:$0x3FBB] =	sst s10  }
0x35: {  	s10 =	sld [smem:$0x3FBA];
	_ =	sdelay $0x3  }
0x36: {  	p1 =	seq.s32 s10, $0x1;
	s10 =	sld [smem:$0x3FBB];
	_ =	sdelay $0x3  }
0x37: {  	[smem:$0x3FBB] =	sst s10  }
0x38: {  	s10 =	sld [smem:$0x3FBC]  }
0x39: {  	_ = 	snop;
	(pc) =	sbr.ind lr, $3  }
0x3a: {  	_ = 	snop  }
0x3b: {  	_ = 	snop  }
0x3c: {  	p2 =	seq.s32 s10, $0x1;
	s10 =	sld [smem:$0x3FBB]  }
0x3d: {  	_ =	shalt  }
0x3e: {  	_ =	shalt  }
0x3f: {  	_ =	shalt  }
0x40: {  	_ =	shalt  }
0x41: {  	_ =	shalt  }
0x42: {  	_ =	shalt  }
0x43: {  	_ =	shalt  }
0x44: {  	_ =	shalt  }
0x45: {  	_ =	shalt  }
0x46: {  	_ =	shalt  }
0x47: {  	_ =	shalt  }
0x48: {  	_ =	shalt  }
0x49: {  	_ =	shalt  }
0x4a: {  	_ =	shalt  }
0x4b: {  	_ =	shalt  }
0x4c: {  	_ =	shalt  }
0x4d: {  	_ =	shalt  }
0x4e: {  	_ =	shalt  }
0x4f: {  	_ =	shalt  }
0x50: {  	_ =	shalt  }
0x51: {  	_ =	shalt  }
0x52: {  	_ =	shalt  }
0x53: {  	_ =	shalt  }
0x54: {  	_ =	shalt  }
0x55: {  	_ =	shalt  }
0x56: {  	_ =	shalt  }
0x57: {  	_ =	shalt  }
0x58: {  	_ =	shalt  }
0x59: {  	_ =	shalt  }
0x5a: {  	_ =	shalt  }
0x5b: {  	_ =	shalt  }
0x5c: {  	_ =	shalt  }
0x5d: {  	_ =	shalt  }
0x5e: {  	_ =	shalt  }
0x5f: {  	_ =	shalt  }
0x60: {  	_ =	shalt  }
0x61: {  	_ =	shalt  }
0x62: {  	_ =	shalt  }
0x63: {  	_ =	shalt  }
0x64: {  	_ =	shalt  }
0x65: {  	_ =	shalt  }
0x66: {  	_ =	shalt  }
0x67: {  	_ =	shalt  }
0x68: {  	_ =	shalt  }
0x69: {  	_ =	shalt  }
0x6a: {  	_ =	shalt  }
0x6b: {  	_ =	shalt  }
0x6c: {  	_ =	shalt  }
0x6d: {  	_ =	shalt  }
0x6e: {  	_ =	shalt  }
0x6f: {  	_ =	shalt  }
0x70: {  	_ =	shalt  }
0x71: {  	_ =	shalt  }
0x72: {  	_ =	shalt  }
0x73: {  	_ =	shalt  }
0x74: {  	_ =	shalt  }
0x75: {  	_ =	shalt  }
0x76: {  	_ =	shalt  }
0x77: {  	_ =	shalt  }
0x78: {  	_ =	shalt  }
0x79: {  	_ =	shalt  }
0x7a: {  	_ =	shalt  }
0x7b: {  	_ =	shalt  }
0x7c: {  	_ =	shalt  }
0x7d: {  	_ =	shalt  }
0x7e: {  	_ =	shalt  }
0x7f: {  	_ =	shalt  }
0x80: {  	_ =	shalt  }
0x81: {  	_ =	shalt  }
0x82: {  	_ =	shalt  }
0x83: {  	_ =	shalt  }
0x84: {  	_ =	shalt  }
0x85: {  	_ =	shalt  }
0x86: {  	_ =	shalt  }
0x87: {  	_ =	shalt  }
.Lfunc_end0:
.L_simem_size_0:
called_computation_lowered:
.L_overlay_start_0:
0x88: {  	s2 =	sld [smem:$0x3FD9]  }
0x89: {  	s3 =	sld [smem:$0x3FFE];
	_ =	sdelay $0x1  }
0x8a: {  	s1 =	srdreg.scid  }
0x8b: {  	s0 =	sand.u32 $0x1, s1  }
0x8c: {  	s17 =	sshll.u32 s0, $0xA;
	s2 =	sadd.s32 s3, s2  }
0x8d: {  	s2 =	sadd.s32 s2, s17  }
0x8e: {  	[smem:$0x3FC7] =	sst s2  }
0x8f: {  	_ = 	snop  }
0x90: {  	s2 =	sld [smem:$0x3FC9]  }
0x91: {  	s18 =	sld [smem:$0x3FD0];
	(tm) =	ssettm $0x1  }
0x92: {  	s4 =	sld [smem:$0x3FFB];
	_ =	sdelay $0x3  }
0x93: {  	_ =	strace s4  }
0x94: {  	s4 =	sld [smem:$0x3FFC];
	_ =	sdelay $0x3  }
0x95: {  	_ =	strace s4  }
0x96: {  	s4 =	sld [smem:$0x3FFD];
	_ =	sdelay $0x3  }
0x97: {  	_ =	strace s4  }
0x98: {  	_ =	strace $0x8FFFFFFF  }
0x99: {  	s19 =	sld [smem:$0x3FDB];
	_ =	sdelay $0x1  }
0x9a: {  	s5 =	simm.s32 $_scs_section_size  }
0x9b: {  	s6 =	simm.s32 $_size__tile_overlayer_lowered;
	s7 =	simm.s32 $_tile_overlayer_lowered  }
0x9c: {  	s22 =	simm.s32 $0x1BFF;
	s21 =	sshll.u32 s7, $0x1;
	s4 =	sadd.s32 s5, s19  }
0x9d: {  	s8 =	simm.s32 $0x0;
	s20 =	sshll.u32 s6, $0x1;
	s6 =	sadd.s32 s21, s4  }
0x9e: {  	[timem:s8], [sflag:s22] =	dma.local [hbm:s6], s20  }
0x9f: {  	_ =	swait.ge [sflag:s22], s20  }
0xa0: {  	s5 =	ssub.s32 $0x0, s20;
	[sflag:s22] =	ssyncset.done $0x0  }
0xa1: {  	[sflag:s22] =	ssyncadd.s32 s5;
	_ =	sdelay $0x1  }
0xa2: {  	s23 =	simm.s32 $0x1B8B  }
0xa3: {  	_ =	swait.ge [sflag:s23], $0x1  }
0xa4: {  	[sflag:s23] =	ssyncset.done $0x0  }
0xa5: {  	s25 =	simm.s32 $0x1B8E;
	s24 =	sld [smem:$0x3FFE];
	[sflag:s23] =	ssyncadd.s32 $0xFFFFFFFF  }
0xa6: {  	s26 =	simm.s32 $execute0_lowered;
	[smem:$0x3FD2] =	sst s25  }
0xa7: {  	s6 =	sshll.u32 s26, $0x1;
	_ =	strace $0x80000046;
	[dreg:$0x1] =	wrdreg $0xFFFFFFFF  }
0xa8: {  	s28 =	simm.s32 $_size_execute0_lowered;
	s4 =	sadd.s32 s4, s6;
	[dreg:$0x0] =	wrdreg $0x0  }
0xa9: {  	s6 =	sshll.u32 s28, $0x1;
	[dreg:$0x2] =	wrdreg s4  }
0xaa: {  	[dreg:$0x3] =	wrdreg s6  }
0xab: {  	[dreg:$0x4] =	wrdreg $0xC0  }
0xac: {  	_ =	task [dreg:s8], $0x5FFFF  }
0xad: {  	[dreg:$0x1] =	wrdreg $0xFFFFFFFF  }
0xae: {  	[dreg:$0x0] =	wrdreg $0x60  }
0xaf: {  	[dreg:$0x2] =	wrdreg s2  }
0xb0: {  	[dreg:$0x3] =	wrdreg s24  }
0xb1: {  	[dreg:$0x4] =	wrdreg s18  }
0xb2: {  	[dreg:$0x5] =	wrdreg $0x9  }
0xb3: {  	_ =	task.clear_ibuf [dreg:s8], $0x6FFFF;
	_ =	strace $0x90000046  }
0xb4: {  	s29 =	simm.s32 $0x9;
	_ =	strace $0x80000048  }
0xb5: {  	_ =	swait.ge [sflag:s29], $0x1  }
0xb6: {  	[sflag:s29] =	ssyncadd.s32 $0xFFFFFFFF  }
0xb7: {  	_ =	strace $0x90000048  }
0xb8: {  	_ =	sfence  }
0xb9: {  	s30 =	sld [smem:$0x0];
	_ =	sdelay $0x2  }
0xba: {  	s31 =	sshll.u32 s1, $0xD;
	s1 =	sshrl.u32 s1, $0x2  }
0xbb: {  	s3 =	sand.u32 $0x4000, s31;
	s1 =	sadd.s32 s1, s30  }
0xbc: {  	s0 =	sor.u32 s3, s0;
	s1 =	sshll.u32 s1, $0x11  }
0xbd: {  	s0 =	sor.u32 s1, s0  }
0xbe: {  	s0 =	sadd.s32 $0x8F2B, s0  }
0xbf: {  	[sflag:s0] =	ssyncadd.remote.s32 $0x1  }
0xc0: {  	_ =	sfence.sel $0xFFFF  }
0xc1: {  	[dreg:$0x0] =	wrdreg $0xFFFFFFFF;
	(pc) =	sbr.abs _section_cstart, $3  }
0xc2: {  	[dreg:$0x1] =	wrdreg $0xFFFFFFFF  }
0xc3: {  	_ =	task.clear_ibuf [dreg:s8], $0x2FFFF;
	_ =	strace $0x9FFFFFFF  }
0xc4: {  	(tm) =	ssettm $0x7FFFFFFF  }
0xc5: {  	_ =	shalt  }
tec
execute0_lowered:
.L_overlay_start_1:
0x0: {  	(tag) =	ssettag $0x1  }
0x1: {  	s0 =	rddreg [dreg:$0x0];
	s1 =	srdreg.scid  }
0x2: {  	s3 =	rddreg [dreg:$0x1];
	s6 =	stileid.u32  }
0x3: {  	s4 =	rddreg [dreg:$0x2];
	s30 =	simm.s32 $0x18000;
	s1 =	sand.u32 $0x1, s1  }
0x4: {  	s31 =	simm.s32 $0x8;
	s2 =	sshll.u32 s6, $0x10;
	s5 =	sshll.u32 s1, $0xF  }
0x5: {  	p0 =	por $0x0, $0x0;
	s6 =	sshll.u32 s6, $0x11;
	s5 =	sor.u32 s5, s2  }
0x6: {  	s6 =	sand.u32 $0x1C0000, s6;
	s2 =	simm.s32 $0x0;
	s7 =	sand.u32 $0x18000, s5  }
0x7: {  	s3 =	sadd.s32 $0x400, s3;
	[smem:$0x7FF] =	sst s2;
	s6 =	sor.u32 s6, s7  }
0x8: {  	_ =	strace $0x80000047;
	[dreg:$0x4] =	wrdreg s3;
	s4 =	sadd.s32 s4, s6  }
0x9: {  	s29 =	sadd.s32 s0, s5;
	s0 =	rddreg [dreg:$0x4];
	s6 =	sadd.s32 $0x20000, s4  }
0xa: {  	s1 =	ssub.s32 $0x2, s1;
	s7 =	sadd.s32 $0x20800, s4;
	[dreg:$0x5] =	wrdreg s6  }
0xb: {  	s19 =	sshrl.u32 s1, $0x1;
	s8 =	sadd.s32 $0x21000, s4;
	[dreg:$0x6] =	wrdreg s7  }
0xc: {  	s1 =	ssub.s32 s1, s19;
	s9 =	sadd.s32 $0x21800, s4;
	[dreg:$0x7] =	wrdreg s8  }
0xd: {  	s26 =	sadd.s32 $0x1000, s29;
	s10 =	sadd.s32 $0x22000, s4;
	[dreg:$0x8] =	wrdreg s9  }
0xe: {  	s25 =	sadd.s32 $0x2000, s29;
	s11 =	sadd.s32 $0x22800, s4;
	[dreg:$0x9] =	wrdreg s10  }
0xf: {  	s22 =	smax.u32 s1, $0x1;
	s12 =	sadd.s32 $0x23000, s4;
	[dreg:$0xa] =	wrdreg s11  }
0x10: {  	s3 =	simm.s32 $0x7;
	s13 =	sadd.s32 $0x23800, s4;
	[dreg:$0xb] =	wrdreg s12  }
0x11: {  	p1 =	sne.s32 s22, $0x1;
	s14 =	sadd.s32 $0x24000, s4;
	[dreg:$0xc] =	wrdreg s13  }
0x12: {  	s1 =	sadd.s32 $0xFFFFFFFF, s22;
	s15 =	sadd.s32 $0x24800, s4;
	[dreg:$0xd] =	wrdreg s14  }
0x13: {  	s22 =	simm.s32 $0x3;
	s16 =	sadd.s32 $0x25000, s4;
	[dreg:$0xe] =	wrdreg s15  }
0x14: {  	s17 =	sadd.s32 $0x25800, s4;
	s18 =	sadd.s32 $0x26000, s4;
	[dreg:$0xf] =	wrdreg s16  }
0x15: {  	s20 =	sadd.s32 $0x26800, s4;
	s21 =	sadd.s32 $0x27000, s4;
	[dreg:$0x10] =	wrdreg s17  }
0x16: {  	s28 =	sadd.s32 $0x27800, s4;
	s24 =	sadd.s32 $0x1000, s4;
	[dreg:$0x11] =	wrdreg s18  }
0x17: {  	s23 =	sadd.s32 $0x2000, s4;
	s19 =	sadd.s32 $0x3000, s4;
	[dreg:$0x12] =	wrdreg s20  }
0x18: {  	s5 =	sadd.s32 $0x7000, s4;
	[dreg:$0x13] =	wrdreg s21;
	s21 =	sadd.s32 $0x3000, s29  }
.Ltmp0:
0x19: {  	s18 =	sadd.s32 $0x4000, s29;
	s17 =	sadd.s32 $0x4000, s4;
	(pc) =	sbr.rel @!p1 .LBB2_3-.Ltmp0, $4  }
0x1a: {  	s16 =	sadd.s32 $0x5000, s29;
	s14 =	sadd.s32 $0x5000, s4;
	s12 =	sadd.s32 $0x6000, s29  }
0x1b: {  	s9 =	sadd.s32 $0x6000, s4;
	s6 =	sadd.s32 $0x7000, s29;
	s15 =	simm.s32 $0x1  }
0x1c: {  	s8 =	simm.s32 $0x8000;
	s11 =	simm.s32 $0x2;
	s20 =	simm.s32 $0x10000  }
0x1d: {  	s10 =	simm.s32 $0x4;
	s7 =	simm.s32 $0x5;
	s13 =	simm.s32 $0x6  }
0x1e: {  	[tilespmem:s30], [sflag:$0x8] =	stream.linear.gather [hbm4b:s0+s2], $0x4000, $0x38;
	[tilespmem:$0x1C000] =	vst v63  }
0x1f: {  	_ =	swait.ge [sflag:s31], $0x4000  }
0x20: {  	[dreg:$0x14] =	wrdreg s1;
	[sflag:s31] =	ssyncset.done $0x0  }
0x21: {  	s0 =	rddreg [dreg:$0x5];
	[sflag:s31] =	ssyncadd.s32 $0xFFFFC000  }
0x22: {  	[hbm4b:s0+s2] =	stream.linear.scatter [tilespmem:s30], [sflag:$0x7], $0x4000, $0x38;
	[tilespmem:$0x1C000] =	vst v63  }
0x23: {  	s1 =	rddreg [dreg:$0x6]  }
0x24: {  	[hbm4b:s1+s2] =	stream.linear.scatter [tilespmem:s30], [sflag:$0x7], $0x4000, $0x38;
	[tilespmem:$0x1C000] =	vst v63  }
0x25: {  	s0 =	rddreg [dreg:$0x7]  }
0x26: {  	[hbm4b:s0+s2] =	stream.linear.scatter [tilespmem:s30], [sflag:$0x7], $0x4000, $0x38;
	[tilespmem:$0x1C000] =	vst v63  }
0x27: {  	s1 =	rddreg [dreg:$0x8]  }
0x28: {  	[hbm4b:s1+s2] =	stream.linear.scatter [tilespmem:s30], [sflag:$0x7], $0x4000, $0x38;
	[tilespmem:$0x1C000] =	vst v63  }
0x29: {  	s0 =	rddreg [dreg:$0x9]  }
0x2a: {  	[hbm4b:s0+s2] =	stream.linear.scatter [tilespmem:s30], [sflag:$0x7], $0x4000, $0x38;
	[tilespmem:$0x1C000] =	vst v63  }
0x2b: {  	s1 =	rddreg [dreg:$0xa]  }
0x2c: {  	[hbm4b:s1+s2] =	stream.linear.scatter [tilespmem:s30], [sflag:$0x7], $0x4000, $0x38;
	[tilespmem:$0x1C000] =	vst v63  }
0x2d: {  	s0 =	rddreg [dreg:$0xb]  }
0x2e: {  	[hbm4b:s0+s2] =	stream.linear.scatter [tilespmem:s30], [sflag:$0x7], $0x4000, $0x38;
	[tilespmem:$0x1C000] =	vst v63  }
0x2f: {  	s1 =	rddreg [dreg:$0xc]  }
0x30: {  	[hbm4b:s1+s2] =	stream.linear.scatter [tilespmem:s30], [sflag:$0x7], $0x4000, $0x38;
	[tilespmem:$0x1C000] =	vst v63  }
0x31: {  	s0 =	rddreg [dreg:$0xd]  }
0x32: {  	[hbm4b:s0+s2] =	stream.linear.scatter [tilespmem:s30], [sflag:$0x7], $0x4000, $0x38;
	[tilespmem:$0x1C000] =	vst v63  }
0x33: {  	s1 =	rddreg [dreg:$0xe]  }
0x34: {  	[hbm4b:s1+s2] =	stream.linear.scatter [tilespmem:s30], [sflag:$0x7], $0x4000, $0x38;
	[tilespmem:$0x1C000] =	vst v63  }
0x35: {  	s0 =	rddreg [dreg:$0xf]  }
0x36: {  	[hbm4b:s0+s2] =	stream.linear.scatter [tilespmem:s30], [sflag:$0x7], $0x4000, $0x38;
	[tilespmem:$0x1C000] =	vst v63  }
0x37: {  	s1 =	rddreg [dreg:$0x10]  }
0x38: {  	[hbm4b:s1+s2] =	stream.linear.scatter [tilespmem:s30], [sflag:$0x7], $0x4000, $0x38;
	[tilespmem:$0x1C000] =	vst v63  }
0x39: {  	s0 =	rddreg [dreg:$0x11]  }
0x3a: {  	[hbm4b:s0+s2] =	stream.linear.scatter [tilespmem:s30], [sflag:$0x7], $0x4000, $0x38;
	[tilespmem:$0x1C000] =	vst v63  }
0x3b: {  	s1 =	rddreg [dreg:$0x12]  }
0x3c: {  	[hbm4b:s1+s2] =	stream.linear.scatter [tilespmem:s30], [sflag:$0x7], $0x4000, $0x38;
	[tilespmem:$0x1C000] =	vst v63  }
0x3d: {  	s0 =	rddreg [dreg:$0x13]  }
0x3e: {  	[hbm4b:s0+s2] =	stream.linear.scatter [tilespmem:s30], [sflag:$0x7], $0x4000, $0x38;
	[tilespmem:$0x1C000] =	vst v63  }
0x3f: {  	_ = 	snop  }
0x40: {  	[hbm4b:s28+s2] =	stream.linear.scatter [tilespmem:s30], [sflag:$0x7], $0x4000, $0x38;
	[tilespmem:$0x1C000] =	vst v63  }
0x41: {  	_ = 	snop  }
0x42: {  	[tilespmem:s2], [sflag:$0x1] =	stream.linear.gather [hbm4b:s29+s2], $0x8000, $0x38;
	[tilespmem:$0x1C000] =	vst v63  }
0x43: {  	_ =	swait.ge [sflag:s15], $0x8000  }
0x44: {  	[sflag:s15] =	ssyncset.done $0x0  }
0x45: {  	[sflag:s15] =	ssyncadd.s32 $0xFFFF8000  }
0x46: {  	[hbm4b:s4+s2] =	stream.linear.scatter [tilespmem:s2], [sflag:$0x4], $0x8000, $0x38;
	[tilespmem:$0x1C000] =	vst v63  }
0x47: {  	_ = 	snop  }
0x48: {  	[tilespmem:s8], [sflag:$0x2] =	stream.linear.gather [hbm4b:s26+s2], $0x8000, $0x38;
	[tilespmem:$0x1C000] =	vst v63  }
0x49: {  	_ =	swait.ge [sflag:s11], $0x8000  }
0x4a: {  	[sflag:s11] =	ssyncset.done $0x0  }
0x4b: {  	[sflag:s11] =	ssyncadd.s32 $0xFFFF8000  }
0x4c: {  	[hbm4b:s24+s2] =	stream.linear.scatter [tilespmem:s8], [sflag:$0x5], $0x8000, $0x38;
	[tilespmem:$0x1C000] =	vst v63  }
0x4d: {  	_ = 	snop  }
0x4e: {  	[tilespmem:s20], [sflag:$0x3] =	stream.linear.gather [hbm4b:s25+s2], $0x8000, $0x38;
	[tilespmem:$0x1C000] =	vst v63  }
0x4f: {  	_ =	swait.ge [sflag:s22], $0x8000  }
0x50: {  	[sflag:s22] =	ssyncset.done $0x0  }
0x51: {  	[sflag:s22] =	ssyncadd.s32 $0xFFFF8000  }
0x52: {  	[hbm4b:s23+s2] =	stream.linear.scatter [tilespmem:s20], [sflag:$0x6], $0x8000, $0x38;
	[tilespmem:$0x1C000] =	vst v63  }
0x53: {  	_ =	swait.ge [sflag:s10], $0x8000  }
0x54: {  	[sflag:s10] =	ssyncset.done $0x0  }
0x55: {  	[sflag:s10] =	ssyncadd.s32 $0xFFFF8000  }
0x56: {  	[tilespmem:s2], [sflag:$0x1] =	stream.linear.gather [hbm4b:s21+s2], $0x8000, $0x38;
	[tilespmem:$0x1C000] =	vst v63  }
0x57: {  	_ =	swait.ge [sflag:s15], $0x8000  }
0x58: {  	[sflag:s15] =	ssyncset.done $0x0  }
0x59: {  	[sflag:s15] =	ssyncadd.s32 $0xFFFF8000  }
0x5a: {  	[hbm4b:s19+s2] =	stream.linear.scatter [tilespmem:s2], [sflag:$0x4], $0x8000, $0x38;
	[tilespmem:$0x1C000] =	vst v63  }
0x5b: {  	_ =	swait.ge [sflag:s7], $0x8000  }
0x5c: {  	[sflag:s7] =	ssyncset.done $0x0  }
0x5d: {  	[sflag:s7] =	ssyncadd.s32 $0xFFFF8000  }
0x5e: {  	[tilespmem:s8], [sflag:$0x2] =	stream.linear.gather [hbm4b:s18+s2], $0x8000, $0x38;
	[tilespmem:$0x1C000] =	vst v63  }
0x5f: {  	_ =	swait.ge [sflag:s11], $0x8000  }
0x60: {  	[sflag:s11] =	ssyncset.done $0x0  }
0x61: {  	[sflag:s11] =	ssyncadd.s32 $0xFFFF8000  }
0x62: {  	[hbm4b:s17+s2] =	stream.linear.scatter [tilespmem:s8], [sflag:$0x5], $0x8000, $0x38;
	[tilespmem:$0x1C000] =	vst v63  }
0x63: {  	_ =	swait.ge [sflag:s13], $0x8000  }
0x64: {  	[sflag:s13] =	ssyncset.done $0x0  }
0x65: {  	[sflag:s13] =	ssyncadd.s32 $0xFFFF8000  }
0x66: {  	[tilespmem:s20], [sflag:$0x3] =	stream.linear.gather [hbm4b:s16+s2], $0x8000, $0x38;
	[tilespmem:$0x1C000] =	vst v63  }
0x67: {  	_ =	swait.ge [sflag:s22], $0x8000  }
0x68: {  	[sflag:s22] =	ssyncset.done $0x0  }
0x69: {  	[sflag:s22] =	ssyncadd.s32 $0xFFFF8000  }
0x6a: {  	[hbm4b:s14+s2] =	stream.linear.scatter [tilespmem:s20], [sflag:$0x6], $0x8000, $0x38;
	[tilespmem:$0x1C000] =	vst v63  }
0x6b: {  	_ =	swait.ge [sflag:s10], $0x8000  }
0x6c: {  	[sflag:s10] =	ssyncset.done $0x0  }
0x6d: {  	[sflag:s10] =	ssyncadd.s32 $0xFFFF8000  }
0x6e: {  	[tilespmem:s2], [sflag:$0x1] =	stream.linear.gather [hbm4b:s12+s2], $0x8000, $0x38;
	[tilespmem:$0x1C000] =	vst v63  }
0x6f: {  	_ =	swait.ge [sflag:s15], $0x8000  }
0x70: {  	[sflag:s15] =	ssyncset.done $0x0  }
0x71: {  	[sflag:s15] =	ssyncadd.s32 $0xFFFF8000  }
0x72: {  	[hbm4b:s9+s2] =	stream.linear.scatter [tilespmem:s2], [sflag:$0x4], $0x8000, $0x38;
	[tilespmem:$0x1C000] =	vst v63  }
0x73: {  	_ =	swait.ge [sflag:s7], $0x8000  }
0x74: {  	[sflag:s7] =	ssyncset.done $0x0  }
0x75: {  	[sflag:s7] =	ssyncadd.s32 $0xFFFF8000  }
0x76: {  	[tilespmem:s8], [sflag:$0x2] =	stream.linear.gather [hbm4b:s6+s2], $0x8000, $0x38;
	[tilespmem:$0x1C000] =	vst v63  }
0x77: {  	_ =	swait.ge [sflag:s11], $0x8000  }
0x78: {  	[sflag:s11] =	ssyncset.done $0x0  }
0x79: {  	[sflag:s11] =	ssyncadd.s32 $0xFFFF8000  }
0x7a: {  	[hbm4b:s5+s2] =	stream.linear.scatter [tilespmem:s8], [sflag:$0x5], $0x8000, $0x38;
	[tilespmem:$0x1C000] =	vst v63  }
0x7b: {  	_ =	swait.ge [sflag:s13], $0x8000  }
0x7c: {  	[sflag:s13] =	ssyncset.done $0x0  }
0x7d: {  	[sflag:s13] =	ssyncadd.s32 $0xFFFF8000  }
0x7e: {  	_ =	swait.ge [sflag:s10], $0x8000  }
0x7f: {  	[sflag:s10] =	ssyncset.done $0x0  }
0x80: {  	[sflag:s10] =	ssyncadd.s32 $0xFFFF8000  }
0x81: {  	_ =	swait.ge [sflag:s7], $0x8000  }
0x82: {  	[sflag:s7] =	ssyncset.done $0x0  }
0x83: {  	[sflag:s7] =	ssyncadd.s32 $0xFFFF8000  }
0x84: {  	_ =	swait.ge [sflag:s3], $0x4000  }
0x85: {  	[sflag:s3] =	ssyncset.done $0x0  }
0x86: {  	[sflag:s3] =	ssyncadd.s32 $0xFFFFC000  }
0x87: {  	_ =	swait.ge [sflag:s3], $0x4000  }
0x88: {  	[sflag:s3] =	ssyncset.done $0x0  }
0x89: {  	[sflag:s3] =	ssyncadd.s32 $0xFFFFC000  }
0x8a: {  	_ =	swait.ge [sflag:s3], $0x4000  }
0x8b: {  	[sflag:s3] =	ssyncset.done $0x0  }
0x8c: {  	[sflag:s3] =	ssyncadd.s32 $0xFFFFC000  }
0x8d: {  	_ =	swait.ge [sflag:s3], $0x4000  }
0x8e: {  	[sflag:s3] =	ssyncset.done $0x0  }
0x8f: {  	[sflag:s3] =	ssyncadd.s32 $0xFFFFC000  }
0x90: {  	_ =	swait.ge [sflag:s3], $0x4000  }
0x91: {  	[sflag:s3] =	ssyncset.done $0x0  }
0x92: {  	[sflag:s3] =	ssyncadd.s32 $0xFFFFC000  }
0x93: {  	_ =	swait.ge [sflag:s3], $0x4000  }
0x94: {  	[sflag:s3] =	ssyncset.done $0x0  }
0x95: {  	[sflag:s3] =	ssyncadd.s32 $0xFFFFC000  }
0x96: {  	_ =	swait.ge [sflag:s3], $0x4000  }
0x97: {  	[sflag:s3] =	ssyncset.done $0x0  }
0x98: {  	[sflag:s3] =	ssyncadd.s32 $0xFFFFC000  }
0x99: {  	_ =	swait.ge [sflag:s3], $0x4000  }
0x9a: {  	[sflag:s3] =	ssyncset.done $0x0  }
0x9b: {  	[sflag:s3] =	ssyncadd.s32 $0xFFFFC000  }
0x9c: {  	_ =	swait.ge [sflag:s3], $0x4000  }
0x9d: {  	[sflag:s3] =	ssyncset.done $0x0  }
0x9e: {  	[sflag:s3] =	ssyncadd.s32 $0xFFFFC000  }
0x9f: {  	_ =	swait.ge [sflag:s3], $0x4000  }
0xa0: {  	[sflag:s3] =	ssyncset.done $0x0  }
0xa1: {  	[sflag:s3] =	ssyncadd.s32 $0xFFFFC000  }
0xa2: {  	_ =	swait.ge [sflag:s3], $0x4000  }
0xa3: {  	[sflag:s3] =	ssyncset.done $0x0  }
0xa4: {  	[sflag:s3] =	ssyncadd.s32 $0xFFFFC000  }
0xa5: {  	_ =	swait.ge [sflag:s3], $0x4000  }
0xa6: {  	[sflag:s3] =	ssyncset.done $0x0  }
0xa7: {  	[sflag:s3] =	ssyncadd.s32 $0xFFFFC000  }
0xa8: {  	_ =	swait.ge [sflag:s3], $0x4000  }
0xa9: {  	[sflag:s3] =	ssyncset.done $0x0  }
0xaa: {  	[sflag:s3] =	ssyncadd.s32 $0xFFFFC000  }
0xab: {  	_ =	swait.ge [sflag:s3], $0x4000  }
0xac: {  	[sflag:s3] =	ssyncset.done $0x0  }
0xad: {  	[sflag:s3] =	ssyncadd.s32 $0xFFFFC000  }
0xae: {  	_ =	swait.ge [sflag:s3], $0x4000  }
0xaf: {  	s1 =	rddreg [dreg:$0x14]  }
0xb0: {  	p1 =	sne.s32 s1, $0x1  }
.Ltmp1:
0xb1: {  	_ = 	snop;
	(pc) =	sbr.rel @!p1 .LBB2_3-.Ltmp1, $4  }
0xb2: {  	[sflag:s3] =	ssyncset.done $0x0  }
0xb3: {  	[sflag:s3] =	ssyncadd.s32 $0xFFFFC000  }
0xb4: {  	p0 =	por $0x1, $0x1;
	_ =	swait.ge [sflag:s3], $0x4000  }
0xb5: {  	s1 =	sadd.s32 $0xFFFFFFFF, s1;
	s0 =	rddreg [dreg:$0x4];
	[sflag:s3] =	ssyncset.done $0x0  }
.LBB2_2:
0xb6: {  	[sflag:s3] =	ssyncadd.s32 $0xFFFFC000  }
0xb7: {  	[tilespmem:s30], [sflag:$0x8] =	stream.linear.gather [hbm4b:s0+s2], $0x4000, $0x38;
	[tilespmem:$0x1C000] =	vst v63  }
0xb8: {  	_ =	swait.ge [sflag:s31], $0x4000  }
0xb9: {  	[sflag:s31] =	ssyncset.done $0x0  }
0xba: {  	s0 =	rddreg [dreg:$0x5];
	[sflag:s31] =	ssyncadd.s32 $0xFFFFC000  }
0xbb: {  	s31 =	smov.u32 s29;
	s29 =	smov.u32 s28;
	s28 =	smov.u32 s26  }
0xbc: {  	s26 =	smov.u32 s25;
	s25 =	smov.u32 s24;
	s24 =	smov.u32 s23  }
0xbd: {  	s23 =	smov.u32 s21;
	s21 =	smov.u32 s19;
	s19 =	smov.u32 s18  }
0xbe: {  	s18 =	smov.u32 s17;
	s17 =	smov.u32 s16;
	s16 =	smov.u32 s4  }
0xbf: {  	s4 =	smov.u32 s14;
	s14 =	smov.u32 s12;
	s12 =	smov.u32 s9  }
0xc0: {  	[hbm4b:s0+s2] =	stream.linear.scatter [tilespmem:s30], [sflag:$0x7], $0x4000, $0x38;
	[tilespmem:$0x1C000] =	vst v63  }
0xc1: {  	s9 =	smov.u32 s6;
	s6 =	smov.u32 s5;
	s5 =	rddreg [dreg:$0x6]  }
0xc2: {  	[hbm4b:s5+s2] =	stream.linear.scatter [tilespmem:s30], [sflag:$0x7], $0x4000, $0x38;
	[tilespmem:$0x1C000] =	vst v63  }
0xc3: {  	s0 =	rddreg [dreg:$0x7]  }
0xc4: {  	[hbm4b:s0+s2] =	stream.linear.scatter [tilespmem:s30], [sflag:$0x7], $0x4000, $0x38;
	[tilespmem:$0x1C000] =	vst v63  }
0xc5: {  	s5 =	rddreg [dreg:$0x8]  }
0xc6: {  	[hbm4b:s5+s2] =	stream.linear.scatter [tilespmem:s30], [sflag:$0x7], $0x4000, $0x38;
	[tilespmem:$0x1C000] =	vst v63  }
0xc7: {  	s0 =	rddreg [dreg:$0x9]  }
0xc8: {  	[hbm4b:s0+s2] =	stream.linear.scatter [tilespmem:s30], [sflag:$0x7], $0x4000, $0x38;
	[tilespmem:$0x1C000] =	vst v63  }
0xc9: {  	s5 =	rddreg [dreg:$0xa]  }
0xca: {  	[hbm4b:s5+s2] =	stream.linear.scatter [tilespmem:s30], [sflag:$0x7], $0x4000, $0x38;
	[tilespmem:$0x1C000] =	vst v63  }
0xcb: {  	s0 =	rddreg [dreg:$0xb]  }
0xcc: {  	[hbm4b:s0+s2] =	stream.linear.scatter [tilespmem:s30], [sflag:$0x7], $0x4000, $0x38;
	[tilespmem:$0x1C000] =	vst v63  }
0xcd: {  	s5 =	rddreg [dreg:$0xc]  }
0xce: {  	[hbm4b:s5+s2] =	stream.linear.scatter [tilespmem:s30], [sflag:$0x7], $0x4000, $0x38;
	[tilespmem:$0x1C000] =	vst v63  }
0xcf: {  	s0 =	rddreg [dreg:$0xd]  }
0xd0: {  	[hbm4b:s0+s2] =	stream.linear.scatter [tilespmem:s30], [sflag:$0x7], $0x4000, $0x38;
	[tilespmem:$0x1C000] =	vst v63  }
0xd1: {  	s5 =	rddreg [dreg:$0xe]  }
0xd2: {  	[hbm4b:s5+s2] =	stream.linear.scatter [tilespmem:s30], [sflag:$0x7], $0x4000, $0x38;
	[tilespmem:$0x1C000] =	vst v63  }
0xd3: {  	s0 =	rddreg [dreg:$0xf]  }
0xd4: {  	[hbm4b:s0+s2] =	stream.linear.scatter [tilespmem:s30], [sflag:$0x7], $0x4000, $0x38;
	[tilespmem:$0x1C000] =	vst v63  }
0xd5: {  	s5 =	rddreg [dreg:$0x10]  }
0xd6: {  	[hbm4b:s5+s2] =	stream.linear.scatter [tilespmem:s30], [sflag:$0x7], $0x4000, $0x38;
	[tilespmem:$0x1C000] =	vst v63  }
0xd7: {  	s0 =	rddreg [dreg:$0x11]  }
0xd8: {  	[hbm4b:s0+s2] =	stream.linear.scatter [tilespmem:s30], [sflag:$0x7], $0x4000, $0x38;
	[tilespmem:$0x1C000] =	vst v63  }
0xd9: {  	s5 =	rddreg [dreg:$0x12]  }
0xda: {  	[hbm4b:s5+s2] =	stream.linear.scatter [tilespmem:s30], [sflag:$0x7], $0x4000, $0x38;
	[tilespmem:$0x1C000] =	vst v63  }
0xdb: {  	s0 =	rddreg [dreg:$0x13];
	s5 =	smov.u32 s6  }
0xdc: {  	s6 =	smov.u32 s9;
	s9 =	smov.u32 s12;
	s12 =	smov.u32 s14  }
0xdd: {  	s14 =	smov.u32 s4;
	s4 =	smov.u32 s16;
	s16 =	smov.u32 s17  }
0xde: {  	s17 =	smov.u32 s18;
	s18 =	smov.u32 s19;
	s19 =	smov.u32 s21  }
0xdf: {  	s21 =	smov.u32 s23;
	s23 =	smov.u32 s24;
	s24 =	smov.u32 s25  }
0xe0: {  	[hbm4b:s0+s2] =	stream.linear.scatter [tilespmem:s30], [sflag:$0x7], $0x4000, $0x38;
	[tilespmem:$0x1C000] =	vst v63  }
0xe1: {  	s25 =	smov.u32 s26;
	s26 =	smov.u32 s28;
	s28 =	smov.u32 s29  }
0xe2: {  	[hbm4b:s28+s2] =	stream.linear.scatter [tilespmem:s30], [sflag:$0x7], $0x4000, $0x38;
	[tilespmem:$0x1C000] =	vst v63  }
0xe3: {  	s29 =	smov.u32 s31  }
0xe4: {  	[tilespmem:s2], [sflag:$0x1] =	stream.linear.gather [hbm4b:s29+s2], $0x8000, $0x38;
	[tilespmem:$0x1C000] =	vst v63  }
0xe5: {  	_ =	swait.ge [sflag:s15], $0x8000  }
0xe6: {  	[sflag:s15] =	ssyncset.done $0x0  }
0xe7: {  	[sflag:s15] =	ssyncadd.s32 $0xFFFF8000  }
0xe8: {  	[hbm4b:s4+s2] =	stream.linear.scatter [tilespmem:s2], [sflag:$0x4], $0x8000, $0x38;
	[tilespmem:$0x1C000] =	vst v63  }
0xe9: {  	_ = 	snop  }
0xea: {  	[tilespmem:s8], [sflag:$0x2] =	stream.linear.gather [hbm4b:s26+s2], $0x8000, $0x38;
	[tilespmem:$0x1C000] =	vst v63  }
0xeb: {  	_ =	swait.ge [sflag:s11], $0x8000  }
0xec: {  	[sflag:s11] =	ssyncset.done $0x0  }
0xed: {  	[sflag:s11] =	ssyncadd.s32 $0xFFFF8000  }
0xee: {  	[hbm4b:s24+s2] =	stream.linear.scatter [tilespmem:s8], [sflag:$0x5], $0x8000, $0x38;
	[tilespmem:$0x1C000] =	vst v63  }
0xef: {  	_ = 	snop  }
0xf0: {  	[tilespmem:s20], [sflag:$0x3] =	stream.linear.gather [hbm4b:s25+s2], $0x8000, $0x38;
	[tilespmem:$0x1C000] =	vst v63  }
0xf1: {  	_ =	swait.ge [sflag:s22], $0x8000  }
0xf2: {  	[sflag:s22] =	ssyncset.done $0x0  }
0xf3: {  	[sflag:s22] =	ssyncadd.s32 $0xFFFF8000  }
0xf4: {  	[hbm4b:s23+s2] =	stream.linear.scatter [tilespmem:s20], [sflag:$0x6], $0x8000, $0x38;
	[tilespmem:$0x1C000] =	vst v63  }
0xf5: {  	_ =	swait.ge [sflag:s10], $0x8000  }
0xf6: {  	[sflag:s10] =	ssyncset.done $0x0  }
0xf7: {  	[sflag:s10] =	ssyncadd.s32 $0xFFFF8000  }
0xf8: {  	[tilespmem:s2], [sflag:$0x1] =	stream.linear.gather [hbm4b:s21+s2], $0x8000, $0x38;
	[tilespmem:$0x1C000] =	vst v63  }
0xf9: {  	_ =	swait.ge [sflag:s15], $0x8000  }
0xfa: {  	[sflag:s15] =	ssyncset.done $0x0  }
0xfb: {  	[sflag:s15] =	ssyncadd.s32 $0xFFFF8000  }
0xfc: {  	[hbm4b:s19+s2] =	stream.linear.scatter [tilespmem:s2], [sflag:$0x4], $0x8000, $0x38;
	[tilespmem:$0x1C000] =	vst v63  }
0xfd: {  	_ =	swait.ge [sflag:s7], $0x8000  }
0xfe: {  	[sflag:s7] =	ssyncset.done $0x0  }
0xff: {  	[sflag:s7] =	ssyncadd.s32 $0xFFFF8000  }
0x100: {  	[tilespmem:s8], [sflag:$0x2] =	stream.linear.gather [hbm4b:s18+s2], $0x8000, $0x38;
	[tilespmem:$0x1C000] =	vst v63  }
0x101: {  	_ =	swait.ge [sflag:s11], $0x8000  }
0x102: {  	[sflag:s11] =	ssyncset.done $0x0  }
0x103: {  	[sflag:s11] =	ssyncadd.s32 $0xFFFF8000  }
0x104: {  	[hbm4b:s17+s2] =	stream.linear.scatter [tilespmem:s8], [sflag:$0x5], $0x8000, $0x38;
	[tilespmem:$0x1C000] =	vst v63  }
0x105: {  	_ =	swait.ge [sflag:s13], $0x8000  }
0x106: {  	[sflag:s13] =	ssyncset.done $0x0  }
0x107: {  	[sflag:s13] =	ssyncadd.s32 $0xFFFF8000  }
0x108: {  	[tilespmem:s20], [sflag:$0x3] =	stream.linear.gather [hbm4b:s16+s2], $0x8000, $0x38;
	[tilespmem:$0x1C000] =	vst v63  }
0x109: {  	_ =	swait.ge [sflag:s22], $0x8000  }
0x10a: {  	[sflag:s22] =	ssyncset.done $0x0  }
0x10b: {  	[sflag:s22] =	ssyncadd.s32 $0xFFFF8000  }
0x10c: {  	[hbm4b:s14+s2] =	stream.linear.scatter [tilespmem:s20], [sflag:$0x6], $0x8000, $0x38;
	[tilespmem:$0x1C000] =	vst v63  }
0x10d: {  	_ =	swait.ge [sflag:s10], $0x8000  }
0x10e: {  	[sflag:s10] =	ssyncset.done $0x0  }
0x10f: {  	[sflag:s10] =	ssyncadd.s32 $0xFFFF8000  }
0x110: {  	[tilespmem:s2], [sflag:$0x1] =	stream.linear.gather [hbm4b:s12+s2], $0x8000, $0x38;
	[tilespmem:$0x1C000] =	vst v63  }
0x111: {  	_ =	swait.ge [sflag:s15], $0x8000  }
0x112: {  	[sflag:s15] =	ssyncset.done $0x0  }
0x113: {  	[sflag:s15] =	ssyncadd.s32 $0xFFFF8000  }
0x114: {  	[hbm4b:s9+s2] =	stream.linear.scatter [tilespmem:s2], [sflag:$0x4], $0x8000, $0x38;
	[tilespmem:$0x1C000] =	vst v63  }
0x115: {  	_ =	swait.ge [sflag:s7], $0x8000  }
0x116: {  	[sflag:s7] =	ssyncset.done $0x0  }
0x117: {  	[sflag:s7] =	ssyncadd.s32 $0xFFFF8000  }
0x118: {  	[tilespmem:s8], [sflag:$0x2] =	stream.linear.gather [hbm4b:s6+s2], $0x8000, $0x38;
	[tilespmem:$0x1C000] =	vst v63  }
0x119: {  	_ =	swait.ge [sflag:s11], $0x8000  }
0x11a: {  	[sflag:s11] =	ssyncset.done $0x0  }
0x11b: {  	[sflag:s11] =	ssyncadd.s32 $0xFFFF8000  }
0x11c: {  	[hbm4b:s5+s2] =	stream.linear.scatter [tilespmem:s8], [sflag:$0x5], $0x8000, $0x38;
	[tilespmem:$0x1C000] =	vst v63  }
0x11d: {  	_ =	swait.ge [sflag:s13], $0x8000  }
0x11e: {  	[sflag:s13] =	ssyncset.done $0x0  }
0x11f: {  	[sflag:s13] =	ssyncadd.s32 $0xFFFF8000  }
0x120: {  	_ =	swait.ge [sflag:s10], $0x8000  }
0x121: {  	[sflag:s10] =	ssyncset.done $0x0  }
0x122: {  	[sflag:s10] =	ssyncadd.s32 $0xFFFF8000  }
0x123: {  	_ =	swait.ge [sflag:s7], $0x8000  }
0x124: {  	[sflag:s7] =	ssyncset.done $0x0  }
0x125: {  	[sflag:s7] =	ssyncadd.s32 $0xFFFF8000  }
0x126: {  	_ =	swait.ge [sflag:s3], $0x4000  }
0x127: {  	[sflag:s3] =	ssyncset.done $0x0  }
0x128: {  	[sflag:s3] =	ssyncadd.s32 $0xFFFFC000  }
0x129: {  	_ =	swait.ge [sflag:s3], $0x4000  }
0x12a: {  	[sflag:s3] =	ssyncset.done $0x0  }
0x12b: {  	[sflag:s3] =	ssyncadd.s32 $0xFFFFC000  }
0x12c: {  	_ =	swait.ge [sflag:s3], $0x4000  }
0x12d: {  	[sflag:s3] =	ssyncset.done $0x0  }
0x12e: {  	[sflag:s3] =	ssyncadd.s32 $0xFFFFC000  }
0x12f: {  	_ =	swait.ge [sflag:s3], $0x4000  }
0x130: {  	[sflag:s3] =	ssyncset.done $0x0  }
0x131: {  	[sflag:s3] =	ssyncadd.s32 $0xFFFFC000  }
0x132: {  	_ =	swait.ge [sflag:s3], $0x4000  }
0x133: {  	[sflag:s3] =	ssyncset.done $0x0  }
0x134: {  	[sflag:s3] =	ssyncadd.s32 $0xFFFFC000  }
0x135: {  	_ =	swait.ge [sflag:s3], $0x4000  }
0x136: {  	[sflag:s3] =	ssyncset.done $0x0  }
0x137: {  	[sflag:s3] =	ssyncadd.s32 $0xFFFFC000  }
0x138: {  	_ =	swait.ge [sflag:s3], $0x4000  }
0x139: {  	[sflag:s3] =	ssyncset.done $0x0  }
0x13a: {  	[sflag:s3] =	ssyncadd.s32 $0xFFFFC000  }
0x13b: {  	_ =	swait.ge [sflag:s3], $0x4000  }
0x13c: {  	[sflag:s3] =	ssyncset.done $0x0  }
0x13d: {  	[sflag:s3] =	ssyncadd.s32 $0xFFFFC000  }
0x13e: {  	_ =	swait.ge [sflag:s3], $0x4000  }
0x13f: {  	[sflag:s3] =	ssyncset.done $0x0  }
0x140: {  	[sflag:s3] =	ssyncadd.s32 $0xFFFFC000  }
0x141: {  	_ =	swait.ge [sflag:s3], $0x4000  }
0x142: {  	[sflag:s3] =	ssyncset.done $0x0  }
0x143: {  	[sflag:s3] =	ssyncadd.s32 $0xFFFFC000  }
0x144: {  	_ =	swait.ge [sflag:s3], $0x4000  }
0x145: {  	[sflag:s3] =	ssyncset.done $0x0  }
0x146: {  	[sflag:s3] =	ssyncadd.s32 $0xFFFFC000  }
0x147: {  	_ =	swait.ge [sflag:s3], $0x4000  }
0x148: {  	[sflag:s3] =	ssyncset.done $0x0  }
0x149: {  	[sflag:s3] =	ssyncadd.s32 $0xFFFFC000  }
0x14a: {  	_ =	swait.ge [sflag:s3], $0x4000  }
0x14b: {  	[sflag:s3] =	ssyncset.done $0x0  }
0x14c: {  	[sflag:s3] =	ssyncadd.s32 $0xFFFFC000  }
0x14d: {  	_ =	swait.ge [sflag:s3], $0x4000  }
0x14e: {  	[sflag:s3] =	ssyncset.done $0x0  }
0x14f: {  	p1 =	sne.s32 s1, $0x1;
	[sflag:s3] =	ssyncadd.s32 $0xFFFFC000  }
.Ltmp2:
0x150: {  	_ =	swait.ge [sflag:s3], $0x4000;
	(pc) =	sbr.rel @p1 .LBB2_2-.Ltmp2, $4  }
0x151: {  	[sflag:s3] =	ssyncset.done $0x0  }
0x152: {  	[sflag:s3] =	ssyncadd.s32 $0xFFFFC000  }
0x153: {  	s1 =	sadd.s32 $0xFFFFFFFF, s1;
	_ =	swait.ge [sflag:s3], $0x4000  }
0x154: {  	s31 =	simm.s32 $0x8;
	s0 =	rddreg [dreg:$0x4];
	[sflag:s3] =	ssyncset.done $0x0  }
.LBB2_3:
0x155: {  	[sflag:s3] =	ssyncadd.s32 @p0 $0xFFFFC000  }
0x156: {  	[tilespmem:s30], [sflag:$0x8] =	stream.linear.gather [hbm4b:s0+s2], $0x4000, $0x38;
	[tilespmem:$0x1C000] =	vst v63  }
0x157: {  	_ =	swait.ge [sflag:s31], $0x4000  }
0x158: {  	[sflag:s31] =	ssyncset.done $0x0  }
0x159: {  	s0 =	rddreg [dreg:$0x5];
	[sflag:s31] =	ssyncadd.s32 $0xFFFFC000  }
0x15a: {  	[hbm4b:s0+s2] =	stream.linear.scatter [tilespmem:s30], [sflag:$0x7], $0x4000, $0x38;
	[tilespmem:$0x1C000] =	vst v63  }
0x15b: {  	s1 =	rddreg [dreg:$0x6]  }
0x15c: {  	[hbm4b:s1+s2] =	stream.linear.scatter [tilespmem:s30], [sflag:$0x7], $0x4000, $0x38;
	[tilespmem:$0x1C000] =	vst v63  }
0x15d: {  	s31 =	rddreg [dreg:$0x7]  }
0x15e: {  	[hbm4b:s31+s2] =	stream.linear.scatter [tilespmem:s30], [sflag:$0x7], $0x4000, $0x38;
	[tilespmem:$0x1C000] =	vst v63  }
0x15f: {  	s1 =	rddreg [dreg:$0x8]  }
0x160: {  	[hbm4b:s1+s2] =	stream.linear.scatter [tilespmem:s30], [sflag:$0x7], $0x4000, $0x38;
	[tilespmem:$0x1C000] =	vst v63  }
0x161: {  	s31 =	rddreg [dreg:$0x9]  }
0x162: {  	[hbm4b:s31+s2] =	stream.linear.scatter [tilespmem:s30], [sflag:$0x7], $0x4000, $0x38;
	[tilespmem:$0x1C000] =	vst v63  }
0x163: {  	s1 =	rddreg [dreg:$0xa]  }
0x164: {  	[hbm4b:s1+s2] =	stream.linear.scatter [tilespmem:s30], [sflag:$0x7], $0x4000, $0x38;
	[tilespmem:$0x1C000] =	vst v63  }
0x165: {  	s31 =	rddreg [dreg:$0xb]  }
0x166: {  	[hbm4b:s31+s2] =	stream.linear.scatter [tilespmem:s30], [sflag:$0x7], $0x4000, $0x38;
	[tilespmem:$0x1C000] =	vst v63  }
0x167: {  	s1 =	rddreg [dreg:$0xc]  }
0x168: {  	[hbm4b:s1+s2] =	stream.linear.scatter [tilespmem:s30], [sflag:$0x7], $0x4000, $0x38;
	[tilespmem:$0x1C000] =	vst v63  }
0x169: {  	s31 =	rddreg [dreg:$0xd]  }
0x16a: {  	[hbm4b:s31+s2] =	stream.linear.scatter [tilespmem:s30], [sflag:$0x7], $0x4000, $0x38;
	[tilespmem:$0x1C000] =	vst v63  }
0x16b: {  	s1 =	rddreg [dreg:$0xe]  }
0x16c: {  	[hbm4b:s1+s2] =	stream.linear.scatter [tilespmem:s30], [sflag:$0x7], $0x4000, $0x38;
	[tilespmem:$0x1C000] =	vst v63  }
0x16d: {  	s31 =	rddreg [dreg:$0xf]  }
0x16e: {  	[hbm4b:s31+s2] =	stream.linear.scatter [tilespmem:s30], [sflag:$0x7], $0x4000, $0x38;
	[tilespmem:$0x1C000] =	vst v63  }
0x16f: {  	s1 =	rddreg [dreg:$0x10]  }
0x170: {  	[hbm4b:s1+s2] =	stream.linear.scatter [tilespmem:s30], [sflag:$0x7], $0x4000, $0x38;
	[tilespmem:$0x1C000] =	vst v63  }
0x171: {  	s31 =	rddreg [dreg:$0x11]  }
0x172: {  	[hbm4b:s31+s2] =	stream.linear.scatter [tilespmem:s30], [sflag:$0x7], $0x4000, $0x38;
	[tilespmem:$0x1C000] =	vst v63  }
0x173: {  	s1 =	rddreg [dreg:$0x12]  }
0x174: {  	[hbm4b:s1+s2] =	stream.linear.scatter [tilespmem:s30], [sflag:$0x7], $0x4000, $0x38;
	[tilespmem:$0x1C000] =	vst v63  }
0x175: {  	s31 =	rddreg [dreg:$0x13]  }
0x176: {  	[hbm4b:s31+s2] =	stream.linear.scatter [tilespmem:s30], [sflag:$0x7], $0x4000, $0x38;
	[tilespmem:$0x1C000] =	vst v63  }
0x177: {  	_ = 	snop  }
0x178: {  	[hbm4b:s28+s2] =	stream.linear.scatter [tilespmem:s30], [sflag:$0x7], $0x4000, $0x38;
	[tilespmem:$0x1C000] =	vst v63  }
0x179: {  	_ = 	snop  }
0x17a: {  	[tilespmem:s2], [sflag:$0x1] =	stream.linear.gather [hbm4b:s29+s2], $0x8000, $0x38;
	[tilespmem:$0x1C000] =	vst v63  }
0x17b: {  	_ =	swait.ge [sflag:s15], $0x8000  }
0x17c: {  	[sflag:s15] =	ssyncset.done $0x0  }
0x17d: {  	[sflag:s15] =	ssyncadd.s32 $0xFFFF8000  }
0x17e: {  	[hbm4b:s4+s2] =	stream.linear.scatter [tilespmem:s2], [sflag:$0x4], $0x8000, $0x38;
	[tilespmem:$0x1C000] =	vst v63  }
0x17f: {  	_ = 	snop  }
0x180: {  	[tilespmem:s8], [sflag:$0x2] =	stream.linear.gather [hbm4b:s26+s2], $0x8000, $0x38;
	[tilespmem:$0x1C000] =	vst v63  }
0x181: {  	_ =	swait.ge [sflag:s11], $0x8000  }
0x182: {  	[sflag:s11] =	ssyncset.done $0x0  }
0x183: {  	[sflag:s11] =	ssyncadd.s32 $0xFFFF8000  }
0x184: {  	[hbm4b:s24+s2] =	stream.linear.scatter [tilespmem:s8], [sflag:$0x5], $0x8000, $0x38;
	[tilespmem:$0x1C000] =	vst v63  }
0x185: {  	_ = 	snop  }
0x186: {  	[tilespmem:s20], [sflag:$0x3] =	stream.linear.gather [hbm4b:s25+s2], $0x8000, $0x38;
	[tilespmem:$0x1C000] =	vst v63  }
0x187: {  	_ =	swait.ge [sflag:s22], $0x8000  }
0x188: {  	[sflag:s22] =	ssyncset.done $0x0  }
0x189: {  	[sflag:s22] =	ssyncadd.s32 $0xFFFF8000  }
0x18a: {  	[hbm4b:s23+s2] =	stream.linear.scatter [tilespmem:s20], [sflag:$0x6], $0x8000, $0x38;
	[tilespmem:$0x1C000] =	vst v63  }
0x18b: {  	_ =	swait.ge [sflag:s10], $0x8000  }
0x18c: {  	[sflag:s10] =	ssyncset.done $0x0  }
0x18d: {  	[sflag:s10] =	ssyncadd.s32 $0xFFFF8000  }
0x18e: {  	[tilespmem:s2], [sflag:$0x1] =	stream.linear.gather [hbm4b:s21+s2], $0x8000, $0x38;
	[tilespmem:$0x1C000] =	vst v63  }
0x18f: {  	_ =	swait.ge [sflag:s15], $0x8000  }
0x190: {  	[sflag:s15] =	ssyncset.done $0x0  }
0x191: {  	[sflag:s15] =	ssyncadd.s32 $0xFFFF8000  }
0x192: {  	[hbm4b:s19+s2] =	stream.linear.scatter [tilespmem:s2], [sflag:$0x4], $0x8000, $0x38;
	[tilespmem:$0x1C000] =	vst v63  }
0x193: {  	_ =	swait.ge [sflag:s7], $0x8000  }
0x194: {  	[sflag:s7] =	ssyncset.done $0x0  }
0x195: {  	[sflag:s7] =	ssyncadd.s32 $0xFFFF8000  }
0x196: {  	[tilespmem:s8], [sflag:$0x2] =	stream.linear.gather [hbm4b:s18+s2], $0x8000, $0x38;
	[tilespmem:$0x1C000] =	vst v63  }
0x197: {  	_ =	swait.ge [sflag:s11], $0x8000  }
0x198: {  	[sflag:s11] =	ssyncset.done $0x0  }
0x199: {  	[sflag:s11] =	ssyncadd.s32 $0xFFFF8000  }
0x19a: {  	[hbm4b:s17+s2] =	stream.linear.scatter [tilespmem:s8], [sflag:$0x5], $0x8000, $0x38;
	[tilespmem:$0x1C000] =	vst v63  }
0x19b: {  	_ =	swait.ge [sflag:s13], $0x8000  }
0x19c: {  	[sflag:s13] =	ssyncset.done $0x0  }
0x19d: {  	[sflag:s13] =	ssyncadd.s32 $0xFFFF8000  }
0x19e: {  	[tilespmem:s20], [sflag:$0x3] =	stream.linear.gather [hbm4b:s16+s2], $0x8000, $0x38;
	[tilespmem:$0x1C000] =	vst v63  }
0x19f: {  	_ =	swait.ge [sflag:s22], $0x8000  }
0x1a0: {  	[sflag:s22] =	ssyncset.done $0x0  }
0x1a1: {  	[sflag:s22] =	ssyncadd.s32 $0xFFFF8000  }
0x1a2: {  	[hbm4b:s14+s2] =	stream.linear.scatter [tilespmem:s20], [sflag:$0x6], $0x8000, $0x38;
	[tilespmem:$0x1C000] =	vst v63  }
0x1a3: {  	_ =	swait.ge [sflag:s10], $0x8000  }
0x1a4: {  	[sflag:s10] =	ssyncset.done $0x0  }
0x1a5: {  	[sflag:s10] =	ssyncadd.s32 $0xFFFF8000  }
0x1a6: {  	[tilespmem:s2], [sflag:$0x1] =	stream.linear.gather [hbm4b:s12+s2], $0x8000, $0x38;
	[tilespmem:$0x1C000] =	vst v63  }
0x1a7: {  	_ =	swait.ge [sflag:s15], $0x8000  }
0x1a8: {  	[sflag:s15] =	ssyncset.done $0x0  }
0x1a9: {  	[sflag:s15] =	ssyncadd.s32 $0xFFFF8000  }
0x1aa: {  	[hbm4b:s9+s2] =	stream.linear.scatter [tilespmem:s2], [sflag:$0x4], $0x8000, $0x38;
	[tilespmem:$0x1C000] =	vst v63  }
0x1ab: {  	_ =	swait.ge [sflag:s7], $0x8000  }
0x1ac: {  	[sflag:s7] =	ssyncset.done $0x0  }
0x1ad: {  	[sflag:s7] =	ssyncadd.s32 $0xFFFF8000  }
0x1ae: {  	[tilespmem:s8], [sflag:$0x2] =	stream.linear.gather [hbm4b:s6+s2], $0x8000, $0x38;
	[tilespmem:$0x1C000] =	vst v63  }
0x1af: {  	_ =	swait.ge [sflag:s11], $0x8000  }
0x1b0: {  	[sflag:s11] =	ssyncset.done $0x0  }
0x1b1: {  	[sflag:s11] =	ssyncadd.s32 $0xFFFF8000  }
0x1b2: {  	[hbm4b:s5+s2] =	stream.linear.scatter [tilespmem:s8], [sflag:$0x5], $0x8000, $0x38;
	[tilespmem:$0x1C000] =	vst v63  }
0x1b3: {  	_ =	swait.ge [sflag:s13], $0x8000  }
0x1b4: {  	[sflag:s13] =	ssyncset.done $0x0  }
0x1b5: {  	[sflag:s13] =	ssyncadd.s32 $0xFFFF8000  }
0x1b6: {  	_ =	swait.ge [sflag:s10], $0x8000  }
0x1b7: {  	[sflag:s10] =	ssyncset.done $0x0  }
0x1b8: {  	[sflag:s10] =	ssyncadd.s32 $0xFFFF8000  }
0x1b9: {  	_ =	swait.ge [sflag:s7], $0x8000  }
0x1ba: {  	[sflag:s7] =	ssyncset.done $0x0  }
0x1bb: {  	[sflag:s7] =	ssyncadd.s32 $0xFFFF8000  }
0x1bc: {  	_ =	swait.ge [sflag:s3], $0x4000  }
0x1bd: {  	[sflag:s3] =	ssyncset.done $0x0  }
0x1be: {  	[sflag:s3] =	ssyncadd.s32 $0xFFFFC000  }
0x1bf: {  	_ =	swait.ge [sflag:s3], $0x4000  }
0x1c0: {  	[sflag:s3] =	ssyncset.done $0x0  }
0x1c1: {  	[sflag:s3] =	ssyncadd.s32 $0xFFFFC000  }
0x1c2: {  	_ =	swait.ge [sflag:s3], $0x4000  }
0x1c3: {  	[sflag:s3] =	ssyncset.done $0x0  }
0x1c4: {  	[sflag:s3] =	ssyncadd.s32 $0xFFFFC000  }
0x1c5: {  	_ =	swait.ge [sflag:s3], $0x4000  }
0x1c6: {  	[sflag:s3] =	ssyncset.done $0x0  }
0x1c7: {  	[sflag:s3] =	ssyncadd.s32 $0xFFFFC000  }
0x1c8: {  	_ =	swait.ge [sflag:s3], $0x4000  }
0x1c9: {  	[sflag:s3] =	ssyncset.done $0x0  }
0x1ca: {  	[sflag:s3] =	ssyncadd.s32 $0xFFFFC000  }
0x1cb: {  	_ =	swait.ge [sflag:s3], $0x4000  }
0x1cc: {  	[sflag:s3] =	ssyncset.done $0x0  }
0x1cd: {  	[sflag:s3] =	ssyncadd.s32 $0xFFFFC000  }
0x1ce: {  	_ =	swait.ge [sflag:s3], $0x4000  }
0x1cf: {  	[sflag:s3] =	ssyncset.done $0x0  }
0x1d0: {  	[sflag:s3] =	ssyncadd.s32 $0xFFFFC000  }
0x1d1: {  	_ =	swait.ge [sflag:s3], $0x4000  }
0x1d2: {  	[sflag:s3] =	ssyncset.done $0x0  }
0x1d3: {  	[sflag:s3] =	ssyncadd.s32 $0xFFFFC000  }
0x1d4: {  	_ =	swait.ge [sflag:s3], $0x4000  }
0x1d5: {  	[sflag:s3] =	ssyncset.done $0x0  }
0x1d6: {  	[sflag:s3] =	ssyncadd.s32 $0xFFFFC000  }
0x1d7: {  	_ =	swait.ge [sflag:s3], $0x4000  }
0x1d8: {  	[sflag:s3] =	ssyncset.done $0x0  }
0x1d9: {  	[sflag:s3] =	ssyncadd.s32 $0xFFFFC000  }
0x1da: {  	_ =	swait.ge [sflag:s3], $0x4000  }
0x1db: {  	[sflag:s3] =	ssyncset.done $0x0  }
0x1dc: {  	[sflag:s3] =	ssyncadd.s32 $0xFFFFC000  }
0x1dd: {  	_ =	swait.ge [sflag:s3], $0x4000  }
0x1de: {  	[sflag:s3] =	ssyncset.done $0x0  }
0x1df: {  	[sflag:s3] =	ssyncadd.s32 $0xFFFFC000  }
0x1e0: {  	_ =	swait.ge [sflag:s3], $0x4000  }
0x1e1: {  	[sflag:s3] =	ssyncset.done $0x0  }
0x1e2: {  	[sflag:s3] =	ssyncadd.s32 $0xFFFFC000  }
0x1e3: {  	_ =	swait.ge [sflag:s3], $0x4000  }
0x1e4: {  	[sflag:s3] =	ssyncset.done $0x0  }
0x1e5: {  	[sflag:s3] =	ssyncadd.s32 $0xFFFFC000  }
0x1e6: {  	_ =	swait.ge [sflag:s3], $0x4000  }
0x1e7: {  	[sflag:s3] =	ssyncset.done $0x0  }
0x1e8: {  	[sflag:s3] =	ssyncadd.s32 $0xFFFFC000  }
0x1e9: {  	_ =	swait.ge [sflag:s3], $0x4000  }
0x1ea: {  	[sflag:s3] =	ssyncset.done $0x0  }
0x1eb: {  	[sflag:s3] =	ssyncadd.s32 $0xFFFFC000  }
0x1ec: {  	_ =	sfence.sel $0x180000  }
0x1ed: {  	[bflag:$0x0] =	sbarrier.arrive $0xFFFF  }
0x1ee: {  	_ =	strace $0x90000047  }
0x1ef: {  	s31 =	stileid.u32;
	[bflag:$0x2] =	sbarrier.arrive $0xFFFF  }
0x1f0: {  	p0 =	sne.s32 s31, $0x0;
	s0 =	rddreg [dreg:$0x3]  }
0x1f1: {  	s0 =	sadd.s32 @!p0 $0x100000, s0  }
0x1f2: {  	[sflag:s0] =	ssyncadd.tile.s32 @!p0 $0x1;
	_ =	shalt  }
.Lfunc_end2:
_tile_overlayer_lowered:
.L_overlay_start_2:
0x1f3: {  	(tag) =	ssettag $0x2  }
0x1f4: {  	s0 =	rddreg [dreg:$0x0];
	s2 =	stileid.u32  }
0x1f5: {  	s1 =	rddreg [dreg:$0x1];
	p0 =	sne.s32 s2, $0x0  }
0x1f6: {  	s3 =	rddreg [dreg:$0x2];
	[bflag:$0x3] =	sbarrier.arrive $0xFFFF;
	s2 =	simm.s32 @!p0 $0x1C09  }
0x1f7: {  	[timem:s3], [sflag:s2] =	dma.local @!p0 [hbm:s0], s1  }
0x1f8: {  	s0 =	simm.s32 @!p0 $0x9  }
0x1f9: {  	_ =	swait.ge @!p0 [sflag:s0], s1  }
0x1fa: {  	s1 =	ssub.s32 @!p0 $0x0, s1;
	[sflag:s0] =	ssyncset.done @!p0 $0x0  }
0x1fb: {  	[sflag:s0] =	ssyncadd.s32 @!p0 s1  }
0x1fc: {  	[bflag:$0x3] =	sbarrier.arrive $0xFFFF  }
0x1fd: {  	_ =	shalt  }

</sc_bundles>
